<compile_context>
chip_gen: v7x
topology: tpu7x:2x2x1
jax: 0.10.2.dev20260603
libtpu: 0.0.44.dev20260713+nightly
codegen_flags: <defaults>
</compile_context>

<pallas_src>
import jax
import jax.numpy as jnp
from jax import lax
from jax.experimental import pallas as pl
from jax.experimental.pallas import tpu as pltpu
from jax.experimental.pallas import tpu_sc as plsc

NCLS = 1000
NCPAD = 1024
NY = 320000
D = 128
NC, NS = 2, 16
NW = NC * NS
CHUNK = 256
SUB = 128
NSUB = CHUNK // SUB
TOTAL_CHUNKS = NY // CHUNK
BASE_CH, EXTRA = divmod(TOTAL_CHUNKS, NW)
MAX_CH = BASE_CH + 1
HCHUNK = 12800
HSTEPS = NY // HCHUNK
HW = 128
XB = 1024


def _sc_seg_body(y_h, lab_h, zacc_h,
                 sums_h,
                 rows_v, idx_v, acc_sh, isem0, isem1, osem0, osem1):
    c = lax.axis_index("c")
    s = lax.axis_index("s")
    w = s * NC + c
    isem = [isem0, isem1]
    osem = [osem0, osem1]

    @pl.when(s == 0)
    def _init():
        pltpu.sync_copy(zacc_h, acc_sh)

    plsc.subcore_barrier()

    n_ch = BASE_CH + (w < EXTRA).astype(jnp.int32)
    first = w * BASE_CH + jnp.minimum(w, EXTRA)

    def start_in(k, b):
        g = first + k
        pltpu.async_copy(y_h.at[pl.ds(g * CHUNK, CHUNK)], rows_v.at[b],
                         isem[b])
        pltpu.async_copy(lab_h.at[pl.ds(g * NSUB, NSUB)], idx_v.at[b],
                         isem[b])

    def wait_in(k, b):
        g = first + k
        pltpu.make_async_copy(y_h.at[pl.ds(g * CHUNK, CHUNK)], rows_v.at[b],
                              isem[b]).wait()
        pltpu.make_async_copy(lab_h.at[pl.ds(g * NSUB, NSUB)], idx_v.at[b],
                              isem[b]).wait()

    def start_scat(b):
        for j in range(NSUB):
            pltpu.async_copy(rows_v.at[b, pl.ds(j * SUB, SUB)],
                             acc_sh.at[idx_v.at[b, j]], osem[b], add=True)

    def wait_scat(b):
        for j in range(NSUB):
            pltpu.make_async_copy(rows_v.at[b, pl.ds(j * SUB, SUB)],
                                  acc_sh.at[idx_v.at[b, j]],
                                  osem[b]).wait()

    @pl.when(0 < n_ch)
    def _prime():
        start_in(0, 0)

    def pair(p, carry):
        for b in range(2):
            k = 2 * p + b

            @pl.when((k >= 1) & (k - 1 < n_ch))
            def _w():
                wait_scat(1 - b)

            @pl.when(k + 1 < n_ch)
            def _s():
                start_in(k + 1, 1 - b)

            @pl.when(k < n_ch)
            def _go():
                wait_in(k, b)
                start_scat(b)
        return carry

    lax.fori_loop(0, MAX_CH // 2, pair, 0)

    @pl.when(n_ch == MAX_CH)
    def _tail():
        wait_scat((MAX_CH - 1) % 2)

    plsc.subcore_barrier()

    @pl.when(s == 0)
    def _writeout():
        pltpu.sync_copy(acc_sh, sums_h.at[c])


def _hist_body(lb, cnts):
    i = pl.program_id(0)

    @pl.when(i == 0)
    def _init():
        cnts[...] = jnp.zeros_like(cnts)

    lab = lb[pl.ds(i, 1), :]
    lab0 = lab[0, 0]
    lab_last = lab[0, HCHUNK - 1]
    base = jnp.minimum(lab0 & ~7, NCPAD - HW)
    narrow = (lab_last - base) < HW

    @pl.when(narrow)
    def _windowed():
        oh_t = (jnp.broadcast_to(lab, (HW, HCHUNK))
                == jax.lax.broadcasted_iota(jnp.int32, (HW, HCHUNK), 0) + base
                ).astype(jnp.float32)
        cnts[pl.ds(base, HW), :] += jnp.broadcast_to(
            jnp.sum(oh_t, axis=1, keepdims=True), (HW, 8))

    @pl.when(jnp.logical_not(narrow))
    def _full():
        oh_t = (jnp.broadcast_to(lab, (NCPAD, HCHUNK))
                == jax.lax.broadcasted_iota(jnp.int32, (NCPAD, HCHUNK), 0)
                ).astype(jnp.float32)
        cnts[...] += jnp.broadcast_to(jnp.sum(oh_t, axis=1, keepdims=True),
                                      (NCPAD, 8))


def _sm_body(xb, sums, cnts, out):
    ssum = sums[0] + sums[1]
    cnt = jnp.maximum(cnts[0:NCLS, 0:1], 1.0)
    cluster = ssum / cnt
    logits = jax.lax.dot_general(xb[...], cluster, (((1,), (1,)), ((), ())),
                                 preferred_element_type=jnp.float32)
    m = jnp.max(logits, axis=1, keepdims=True)
    e = jnp.exp(logits - m)
    out[...] = e / jnp.sum(e, axis=1, keepdims=True)


def kernel(x, y, y_label):
    labels = y_label.astype(jnp.int32)
    lab2 = labels.reshape(NY // SUB, SUB)
    lab2b = labels.reshape(HSTEPS, HCHUNK)
    zacc = jnp.zeros((NCLS, D), jnp.float32)

    seg = pl.kernel(
        _sc_seg_body,
        out_type=jax.ShapeDtypeStruct((NC, NCLS, D), jnp.float32),
        mesh=plsc.VectorSubcoreMesh(core_axis_name="c", subcore_axis_name="s"),
        scratch_types=[
            pltpu.VMEM((2, CHUNK, D), jnp.float32),
            pltpu.VMEM((2, NSUB, SUB), jnp.int32),
            pltpu.VMEM_SHARED((NCLS, D), jnp.float32),
            pltpu.SemaphoreType.DMA,
            pltpu.SemaphoreType.DMA,
            pltpu.SemaphoreType.DMA,
            pltpu.SemaphoreType.DMA,
        ],
    )
    sums = seg(y, lab2, zacc)

    cnts = pl.pallas_call(
        _hist_body,
        grid=(HSTEPS,),
        in_specs=[pl.BlockSpec((HSTEPS, HCHUNK), lambda i: (0, 0))],
        out_specs=pl.BlockSpec((NCPAD, 8), lambda i: (0, 0)),
        out_shape=jax.ShapeDtypeStruct((NCPAD, 8), jnp.float32),
    )(lab2b)

    probs = pl.pallas_call(
        _sm_body,
        grid=(x.shape[0] // XB,),
        in_specs=[
            pl.BlockSpec((XB, D), lambda i: (i, 0)),
            pl.BlockSpec((NC, NCLS, D), lambda i: (0, 0, 0)),
            pl.BlockSpec((NCPAD, 8), lambda i: (0, 0)),
        ],
        out_specs=pl.BlockSpec((XB, NCLS), lambda i: (i, 0)),
        out_shape=jax.ShapeDtypeStruct((x.shape[0], NCLS), jnp.float32),
    )(x, sums, cnts)

    return probs

# --- scband reference (transcript-rebuilt; emitter-appended) ---
"""Pipeline reference for scband-nnclassifier-53352083751390 (READ-ONLY COPY).

The authoritative reference and input builder live on the scoring server;
editing this copy changes nothing except your own understanding.
"""

import jax, jax.numpy as jnp
import numpy as np

NUM_CLASSES = 1000

def setup_inputs(seed: int = 0) -> dict:
    key = jax.random.key(seed)
    k1, k2, k3 = jax.random.split(key, 3)
    x = jax.random.normal(k1, (4096, 128), dtype=jnp.float32)
    y = jax.random.normal(k2, (320000, 128), dtype=jnp.float32)
    y_label = jnp.sort(jax.random.randint(k3, (320000,), 0, NUM_CLASSES, dtype=jnp.int64))
    return {"x": x, "y": y, "y_label": y_label}

def _scatter_mean(y, y_label, num_segments):
    sums = jax.ops.segment_sum(y, y_label, num_segments=num_segments)
    counts = jax.ops.segment_sum(jnp.ones((y.shape[0],), dtype=y.dtype), y_label, num_segments=num_segments)
    counts = jnp.clip(counts, 1.0, None)
    return sums / counts[:, None]

def _sim_metric_dot_softmax(x, cluster, mask=None):
    logits = x @ cluster.T
    if mask is not None:
        logits = jnp.where(mask, logits, -jnp.inf)
    return jax.nn.softmax(logits, axis=-1)

def reference(x, y, y_label):
    cluster = _scatter_mean(y, y_label, NUM_CLASSES)
    probs = _sim_metric_dot_softmax(x, cluster, mask=None)
    return probs

if __name__ == "__main__":
    import jax
    _d = setup_inputs()
    print(jax.jit(kernel)(*tuple(_d.values())))

</pallas_src>

<mosaic_0001>
#map = affine_map<(d0, d1) -> (0, 0)>
#map1 = affine_map<(d0, d1) -> (0, 0, 0)>
module attributes {stable_mosaic.version = 14 : i64} {
  func.func @_sc_seg_body(%arg0: i32, %arg1: i32, %arg2: memref<320000x128xf32, #tpu.memory_space<hbm>>, %arg3: memref<2500x128xi32, #tpu.memory_space<hbm>>, %arg4: memref<1000x128xf32, #tpu.memory_space<hbm>>, %arg5: memref<2x1000x128xf32, #tpu.memory_space<hbm>>, %arg6: memref<2x256x128xf32, #tpu.memory_space<vmem>>, %arg7: memref<2x2x128xi32, #tpu.memory_space<vmem>>, %arg8: memref<1000x128xf32, #tpu.memory_space<vmem_shared>>, %arg9: memref<!tpu.dma_semaphore, #tpu.memory_space<semaphore_mem>>, %arg10: memref<!tpu.dma_semaphore, #tpu.memory_space<semaphore_mem>>, %arg11: memref<!tpu.dma_semaphore, #tpu.memory_space<semaphore_mem>>, %arg12: memref<!tpu.dma_semaphore, #tpu.memory_space<semaphore_mem>>) attributes {dimension_semantics = [#tpu.dimension_semantics<core_parallel>, #tpu.dimension_semantics<subcore_parallel>], iteration_bounds = array<i64: 2, 16>, scalar_prefetch = 0 : i64, scratch_operands = 7 : i64, tpu.core_type = #tpu.core_type<sc_vector_subcore>, window_params = [{transform_indices = #map}, {transform_indices = #map}, {transform_indices = #map}, {transform_indices = #map1}]} {
    %mul3A = arith.constant 2 : i32
    %mul3A_0 = arith.muli %arg1, %mul3A : i32
    %add3A = arith.addi %mul3A_0, %arg0 : i32
    %eq3A = arith.constant 0 : i32
    %eq3A_1 = arith.cmpi eq, %arg1, %eq3A : i32
    %convert_element_type3A = arith.extui %eq3A_1 : i1 to i32
    %cond3A = arith.constant 0 : i32
    %cond3A_2 = arith.cmpi ne, %convert_element_type3A, %cond3A : i32
    scf.if %cond3A_2 {
      "tpu.region"() ({
        %run_scoped3A = tpu.sem_alloc : memref<!tpu.dma_semaphore, #tpu.memory_space<semaphore_mem>>
        tpu.enqueue_dma source(%arg4 : memref<1000x128xf32, #tpu.memory_space<hbm>>) target(%arg8 : memref<1000x128xf32, #tpu.memory_space<vmem_shared>>) target_semaphore(%run_scoped3A : memref<!tpu.dma_semaphore, #tpu.memory_space<semaphore_mem>>)
        tpu.wait_dma2 semaphore(%run_scoped3A : memref<!tpu.dma_semaphore, #tpu.memory_space<semaphore_mem>>) src(%arg4 : memref<1000x128xf32, #tpu.memory_space<hbm>>) dst(%arg8 : memref<1000x128xf32, #tpu.memory_space<vmem_shared>>)
        tpu.yield
      }) : () -> ()
    } else {
    }
    %barrier3A = arith.constant 0 : index
    tpu.barrier barrier_id(%barrier3A)
    %lt3A = arith.constant 2 : i32
    %lt3A_3 = arith.cmpi slt, %add3A, %lt3A : i32
    %convert_element_type3A_4 = arith.extui %lt3A_3 : i1 to i32
    %add3A_5 = arith.constant 39 : i32
    %add3A_6 = arith.addi %add3A_5, %convert_element_type3A_4 : i32
    %mul3A_7 = arith.constant 39 : i32
    %mul3A_8 = arith.muli %add3A, %mul3A_7 : i32
    %min3A = arith.constant 2 : i32
    %min3A_9 = arith.minsi %add3A, %min3A : i32
    %add3A_10 = arith.addi %mul3A_8, %min3A_9 : i32
    %gt3A = arith.constant 0 : i32
    %gt3A_11 = arith.cmpi sgt, %add3A_6, %gt3A : i32
    %convert_element_type3A_12 = arith.extui %gt3A_11 : i1 to i32
    %cond3A_13 = arith.constant 0 : i32
    %cond3A_14 = arith.cmpi ne, %convert_element_type3A_12, %cond3A_13 : i32
    scf.if %cond3A_14 {
      %add3A_31 = arith.constant 0 : i32
      %add3A_32 = arith.addi %add3A_10, %add3A_31 : i32
      %mul3A_33 = arith.constant 256 : i32
      %mul3A_34 = arith.muli %add3A_32, %mul3A_33 : i32
      %dma_start3A = arith.constant 0 : i32
      %dma_start3A_35 = arith.constant 0 : i32
      %dma_start3A_36 = arith.constant 0 : i32
      %dma_start3A_37 = tpu.memref_slice %arg6[%dma_start3A, %dma_start3A_35, %dma_start3A_36] : memref<2x256x128xf32, #tpu.memory_space<vmem>> -> memref<1x256x128xf32, #tpu.memory_space<vmem>>
      %dma_start3A_38 = tpu.memref_squeeze %dma_start3A_37 : memref<1x256x128xf32, #tpu.memory_space<vmem>> -> memref<256x128xf32, #tpu.memory_space<vmem>>
      %dma_start3A_39 = arith.constant 0 : i32
      %dma_start3A_40 = tpu.memref_slice %arg2[%mul3A_34, %dma_start3A_39] : memref<320000x128xf32, #tpu.memory_space<hbm>> -> memref<256x128xf32, #tpu.memory_space<hbm>>
      %dma_start3A_41 = arith.constant 0 : i32
      %dma_start3A_42 = arith.constant 0 : i32
      %dma_start3A_43 = tpu.memref_slice %arg6[%dma_start3A, %dma_start3A_41, %dma_start3A_42] : memref<2x256x128xf32, #tpu.memory_space<vmem>> -> memref<1x256x128xf32, #tpu.memory_space<vmem>>
      %dma_start3A_44 = tpu.memref_squeeze %dma_start3A_43 : memref<1x256x128xf32, #tpu.memory_space<vmem>> -> memref<256x128xf32, #tpu.memory_space<vmem>>
      %dma_start3A_45 = arith.constant 0 : i32
      %dma_start3A_46 = tpu.memref_slice %arg2[%mul3A_34, %dma_start3A_45] : memref<320000x128xf32, #tpu.memory_space<hbm>> -> memref<256x128xf32, #tpu.memory_space<hbm>>
      tpu.enqueue_dma source(%dma_start3A_46 : memref<256x128xf32, #tpu.memory_space<hbm>>) target(%dma_start3A_44 : memref<256x128xf32, #tpu.memory_space<vmem>>) target_semaphore(%arg9 : memref<!tpu.dma_semaphore, #tpu.memory_space<semaphore_mem>>)
      %mul3A_47 = arith.constant 2 : i32
      %mul3A_48 = arith.muli %add3A_32, %mul3A_47 : i32
      %dma_start3A_49 = arith.constant 0 : i32
      %dma_start3A_50 = arith.constant 0 : i32
      %dma_start3A_51 = arith.constant 0 : i32
      %dma_start3A_52 = tpu.memref_slice %arg7[%dma_start3A_49, %dma_start3A_50, %dma_start3A_51] : memref<2x2x128xi32, #tpu.memory_space<vmem>> -> memref<1x2x128xi32, #tpu.memory_space<vmem>>
      %dma_start3A_53 = tpu.memref_squeeze %dma_start3A_52 : memref<1x2x128xi32, #tpu.memory_space<vmem>> -> memref<2x128xi32, #tpu.memory_space<vmem>>
      %dma_start3A_54 = arith.constant 0 : i32
      %dma_start3A_55 = tpu.memref_slice %arg3[%mul3A_48, %dma_start3A_54] : memref<2500x128xi32, #tpu.memory_space<hbm>> -> memref<2x128xi32, #tpu.memory_space<hbm>>
      %dma_start3A_56 = arith.constant 0 : i32
      %dma_start3A_57 = arith.constant 0 : i32
      %dma_start3A_58 = tpu.memref_slice %arg7[%dma_start3A_49, %dma_start3A_56, %dma_start3A_57] : memref<2x2x128xi32, #tpu.memory_space<vmem>> -> memref<1x2x128xi32, #tpu.memory_space<vmem>>
      %dma_start3A_59 = tpu.memref_squeeze %dma_start3A_58 : memref<1x2x128xi32, #tpu.memory_space<vmem>> -> memref<2x128xi32, #tpu.memory_space<vmem>>
      %dma_start3A_60 = arith.constant 0 : i32
      %dma_start3A_61 = tpu.memref_slice %arg3[%mul3A_48, %dma_start3A_60] : memref<2500x128xi32, #tpu.memory_space<hbm>> -> memref<2x128xi32, #tpu.memory_space<hbm>>
      tpu.enqueue_dma source(%dma_start3A_61 : memref<2x128xi32, #tpu.memory_space<hbm>>) target(%dma_start3A_59 : memref<2x128xi32, #tpu.memory_space<vmem>>) target_semaphore(%arg9 : memref<!tpu.dma_semaphore, #tpu.memory_space<semaphore_mem>>)
    } else {
    }
    %scan3A = arith.constant 0 : i32
    %scan3A_15 = arith.constant 0 : i32
    %scan3A_16 = arith.constant 20 : i32
    %scan3A_17 = arith.addi %scan3A_15, %scan3A_16 : i32
    %scan3A_18 = arith.constant 1 : i32
    scf.for %scan3A_31 = %scan3A_15 to %scan3A_17 step %scan3A_18  : i32 {
      %mul3A_32 = arith.constant 2 : i32
      %mul3A_33 = arith.muli %mul3A_32, %scan3A_31 : i32
      %add3A_34 = arith.constant 0 : i32
      %add3A_35 = arith.addi %mul3A_33, %add3A_34 : i32
      %ge3A = arith.constant 1 : i32
      %ge3A_36 = arith.cmpi sge, %add3A_35, %ge3A : i32
      %sub3A = arith.constant 1 : i32
      %sub3A_37 = arith.subi %add3A_35, %sub3A : i32
      %lt3A_38 = arith.cmpi slt, %sub3A_37, %add3A_6 : i32
      %and3A = arith.andi %ge3A_36, %lt3A_38 : i1
      %convert_element_type3A_39 = arith.extui %and3A : i1 to i32
      %cond3A_40 = arith.constant 0 : i32
      %cond3A_41 = arith.cmpi ne, %convert_element_type3A_39, %cond3A_40 : i32
      scf.if %cond3A_41 {
        %dma_wait3A = arith.constant 1 : i32
        %dma_wait3A_75 = arith.constant 1 : i32
        %dma_wait3A_76 = arith.constant 0 : i32
        %dma_wait3A_77 = arith.constant 0 : i32
        %dma_wait3A_78 = arith.constant 0 : i32
        %dma_wait3A_79 = tpu.memref_slice %arg6[%dma_wait3A, %dma_wait3A_77, %dma_wait3A_78] : memref<2x256x128xf32, #tpu.memory_space<vmem>> -> memref<1x128x128xf32, #tpu.memory_space<vmem>>
        %dma_wait3A_80 = tpu.memref_squeeze %dma_wait3A_79 : memref<1x128x128xf32, #tpu.memory_space<vmem>> -> memref<128x128xf32, #tpu.memory_space<vmem>>
        %dma_wait3A_81 = arith.constant 0 : i32
        %dma_wait3A_82 = tpu.memref_slice %arg7[%dma_wait3A_75, %dma_wait3A_76, %dma_wait3A_81] : memref<2x2x128xi32, #tpu.memory_space<vmem>> -> memref<1x1x128xi32, #tpu.memory_space<vmem>>
        %dma_wait3A_83 = tpu.memref_squeeze %dma_wait3A_82 : memref<1x1x128xi32, #tpu.memory_space<vmem>> -> memref<128xi32, #tpu.memory_space<vmem>>
        %dma_wait3A_84 = arith.constant 0 : i32
        %dma_wait3A_85 = arith.constant 0 : i32
        %dma_wait3A_86 = tpu.memref_slice %arg8[%dma_wait3A_84, %dma_wait3A_85] : memref<1000x128xf32, #tpu.memory_space<vmem_shared>> -> memref<1000x128xf32, #tpu.memory_space<vmem_shared>>
        tpu.wait_indirect_dma semaphore(%arg12 : memref<!tpu.dma_semaphore, #tpu.memory_space<semaphore_mem>>) src(%dma_wait3A_80 : memref<128x128xf32, #tpu.memory_space<vmem>>) dst(%dma_wait3A_86 : memref<1000x128xf32, #tpu.memory_space<vmem_shared>>)
        %dma_wait3A_87 = arith.constant 1 : i32
        %dma_wait3A_88 = arith.constant 1 : i32
        %dma_wait3A_89 = arith.constant 1 : i32
        %dma_wait3A_90 = arith.constant 128 : i32
        %dma_wait3A_91 = arith.constant 0 : i32
        %dma_wait3A_92 = tpu.memref_slice %arg6[%dma_wait3A_87, %dma_wait3A_90, %dma_wait3A_91] : memref<2x256x128xf32, #tpu.memory_space<vmem>> -> memref<1x128x128xf32, #tpu.memory_space<vmem>>
        %dma_wait3A_93 = tpu.memref_squeeze %dma_wait3A_92 : memref<1x128x128xf32, #tpu.memory_space<vmem>> -> memref<128x128xf32, #tpu.memory_space<vmem>>
        %dma_wait3A_94 = arith.constant 0 : i32
        %dma_wait3A_95 = tpu.memref_slice %arg7[%dma_wait3A_88, %dma_wait3A_89, %dma_wait3A_94] : memref<2x2x128xi32, #tpu.memory_space<vmem>> -> memref<1x1x128xi32, #tpu.memory_space<vmem>>
        %dma_wait3A_96 = tpu.memref_squeeze %dma_wait3A_95 : memref<1x1x128xi32, #tpu.memory_space<vmem>> -> memref<128xi32, #tpu.memory_space<vmem>>
        %dma_wait3A_97 = arith.constant 0 : i32
        %dma_wait3A_98 = arith.constant 0 : i32
        %dma_wait3A_99 = tpu.memref_slice %arg8[%dma_wait3A_97, %dma_wait3A_98] : memref<1000x128xf32, #tpu.memory_space<vmem_shared>> -> memref<1000x128xf32, #tpu.memory_space<vmem_shared>>
        tpu.wait_indirect_dma semaphore(%arg12 : memref<!tpu.dma_semaphore, #tpu.memory_space<semaphore_mem>>) src(%dma_wait3A_93 : memref<128x128xf32, #tpu.memory_space<vmem>>) dst(%dma_wait3A_99 : memref<1000x128xf32, #tpu.memory_space<vmem_shared>>)
      } else {
      }
      %add3A_42 = arith.constant 1 : i32
      %add3A_43 = arith.addi %add3A_35, %add3A_42 : i32
      %lt3A_44 = arith.cmpi slt, %add3A_43, %add3A_6 : i32
      %convert_element_type3A_45 = arith.extui %lt3A_44 : i1 to i32
      %cond3A_46 = arith.constant 0 : i32
      %cond3A_47 = arith.cmpi ne, %convert_element_type3A_45, %cond3A_46 : i32
      scf.if %cond3A_47 {
        %add3A_75 = arith.constant 1 : i32
        %add3A_76 = arith.addi %add3A_35, %add3A_75 : i32
        %add3A_77 = arith.addi %add3A_10, %add3A_76 : i32
        %mul3A_78 = arith.constant 256 : i32
        %mul3A_79 = arith.muli %add3A_77, %mul3A_78 : i32
        %dma_start3A = arith.constant 1 : i32
        %dma_start3A_80 = arith.constant 0 : i32
        %dma_start3A_81 = arith.constant 0 : i32
        %dma_start3A_82 = tpu.memref_slice %arg6[%dma_start3A, %dma_start3A_80, %dma_start3A_81] : memref<2x256x128xf32, #tpu.memory_space<vmem>> -> memref<1x256x128xf32, #tpu.memory_space<vmem>>
        %dma_start3A_83 = tpu.memref_squeeze %dma_start3A_82 : memref<1x256x128xf32, #tpu.memory_space<vmem>> -> memref<256x128xf32, #tpu.memory_space<vmem>>
        %dma_start3A_84 = arith.constant 0 : i32
        %dma_start3A_85 = tpu.memref_slice %arg2[%mul3A_79, %dma_start3A_84] : memref<320000x128xf32, #tpu.memory_space<hbm>> -> memref<256x128xf32, #tpu.memory_space<hbm>>
        %dma_start3A_86 = arith.constant 0 : i32
        %dma_start3A_87 = arith.constant 0 : i32
        %dma_start3A_88 = tpu.memref_slice %arg6[%dma_start3A, %dma_start3A_86, %dma_start3A_87] : memref<2x256x128xf32, #tpu.memory_space<vmem>> -> memref<1x256x128xf32, #tpu.memory_space<vmem>>
        %dma_start3A_89 = tpu.memref_squeeze %dma_start3A_88 : memref<1x256x128xf32, #tpu.memory_space<vmem>> -> memref<256x128xf32, #tpu.memory_space<vmem>>
        %dma_start3A_90 = arith.constant 0 : i32
        %dma_start3A_91 = tpu.memref_slice %arg2[%mul3A_79, %dma_start3A_90] : memref<320000x128xf32, #tpu.memory_space<hbm>> -> memref<256x128xf32, #tpu.memory_space<hbm>>
        tpu.enqueue_dma source(%dma_start3A_91 : memref<256x128xf32, #tpu.memory_space<hbm>>) target(%dma_start3A_89 : memref<256x128xf32, #tpu.memory_space<vmem>>) target_semaphore(%arg10 : memref<!tpu.dma_semaphore, #tpu.memory_space<semaphore_mem>>)
        %mul3A_92 = arith.constant 2 : i32
        %mul3A_93 = arith.muli %add3A_77, %mul3A_92 : i32
        %dma_start3A_94 = arith.constant 1 : i32
        %dma_start3A_95 = arith.constant 0 : i32
        %dma_start3A_96 = arith.constant 0 : i32
        %dma_start3A_97 = tpu.memref_slice %arg7[%dma_start3A_94, %dma_start3A_95, %dma_start3A_96] : memref<2x2x128xi32, #tpu.memory_space<vmem>> -> memref<1x2x128xi32, #tpu.memory_space<vmem>>
        %dma_start3A_98 = tpu.memref_squeeze %dma_start3A_97 : memref<1x2x128xi32, #tpu.memory_space<vmem>> -> memref<2x128xi32, #tpu.memory_space<vmem>>
        %dma_start3A_99 = arith.constant 0 : i32
        %dma_start3A_100 = tpu.memref_slice %arg3[%mul3A_93, %dma_start3A_99] : memref<2500x128xi32, #tpu.memory_space<hbm>> -> memref<2x128xi32, #tpu.memory_space<hbm>>
        %dma_start3A_101 = arith.constant 0 : i32
        %dma_start3A_102 = arith.constant 0 : i32
        %dma_start3A_103 = tpu.memref_slice %arg7[%dma_start3A_94, %dma_start3A_101, %dma_start3A_102] : memref<2x2x128xi32, #tpu.memory_space<vmem>> -> memref<1x2x128xi32, #tpu.memory_space<vmem>>
        %dma_start3A_104 = tpu.memref_squeeze %dma_start3A_103 : memref<1x2x128xi32, #tpu.memory_space<vmem>> -> memref<2x128xi32, #tpu.memory_space<vmem>>
        %dma_start3A_105 = arith.constant 0 : i32
        %dma_start3A_106 = tpu.memref_slice %arg3[%mul3A_93, %dma_start3A_105] : memref<2500x128xi32, #tpu.memory_space<hbm>> -> memref<2x128xi32, #tpu.memory_space<hbm>>
        tpu.enqueue_dma source(%dma_start3A_106 : memref<2x128xi32, #tpu.memory_space<hbm>>) target(%dma_start3A_104 : memref<2x128xi32, #tpu.memory_space<vmem>>) target_semaphore(%arg10 : memref<!tpu.dma_semaphore, #tpu.memory_space<semaphore_mem>>)
      } else {
      }
      %lt3A_48 = arith.cmpi slt, %add3A_35, %add3A_6 : i32
      %convert_element_type3A_49 = arith.extui %lt3A_48 : i1 to i32
      %cond3A_50 = arith.constant 0 : i32
      %cond3A_51 = arith.cmpi ne, %convert_element_type3A_49, %cond3A_50 : i32
      scf.if %cond3A_51 {
        %add3A_75 = arith.addi %add3A_10, %add3A_35 : i32
        %mul3A_76 = arith.constant 256 : i32
        %mul3A_77 = arith.muli %add3A_75, %mul3A_76 : i32
        %dma_wait3A = arith.constant 0 : i32
        %dma_wait3A_78 = arith.constant 0 : i32
        %dma_wait3A_79 = arith.constant 0 : i32
        %dma_wait3A_80 = tpu.memref_slice %arg6[%dma_wait3A, %dma_wait3A_78, %dma_wait3A_79] : memref<2x256x128xf32, #tpu.memory_space<vmem>> -> memref<1x256x128xf32, #tpu.memory_space<vmem>>
        %dma_wait3A_81 = tpu.memref_squeeze %dma_wait3A_80 : memref<1x256x128xf32, #tpu.memory_space<vmem>> -> memref<256x128xf32, #tpu.memory_space<vmem>>
        %dma_wait3A_82 = arith.constant 0 : i32
        %dma_wait3A_83 = tpu.memref_slice %arg2[%mul3A_77, %dma_wait3A_82] : memref<320000x128xf32, #tpu.memory_space<hbm>> -> memref<256x128xf32, #tpu.memory_space<hbm>>
        %dma_wait3A_84 = arith.constant 0 : i32
        %dma_wait3A_85 = arith.constant 0 : i32
        %dma_wait3A_86 = tpu.memref_slice %arg6[%dma_wait3A, %dma_wait3A_84, %dma_wait3A_85] : memref<2x256x128xf32, #tpu.memory_space<vmem>> -> memref<1x256x128xf32, #tpu.memory_space<vmem>>
        %dma_wait3A_87 = tpu.memref_squeeze %dma_wait3A_86 : memref<1x256x128xf32, #tpu.memory_space<vmem>> -> memref<256x128xf32, #tpu.memory_space<vmem>>
        %dma_wait3A_88 = arith.constant 0 : i32
        %dma_wait3A_89 = tpu.memref_slice %arg2[%mul3A_77, %dma_wait3A_88] : memref<320000x128xf32, #tpu.memory_space<hbm>> -> memref<256x128xf32, #tpu.memory_space<hbm>>
        tpu.wait_dma2 semaphore(%arg9 : memref<!tpu.dma_semaphore, #tpu.memory_space<semaphore_mem>>) src(%dma_wait3A_89 : memref<256x128xf32, #tpu.memory_space<hbm>>) dst(%dma_wait3A_87 : memref<256x128xf32, #tpu.memory_space<vmem>>)
        %mul3A_90 = arith.constant 2 : i32
        %mul3A_91 = arith.muli %add3A_75, %mul3A_90 : i32
        %dma_wait3A_92 = arith.constant 0 : i32
        %dma_wait3A_93 = arith.constant 0 : i32
        %dma_wait3A_94 = arith.constant 0 : i32
        %dma_wait3A_95 = tpu.memref_slice %arg7[%dma_wait3A_92, %dma_wait3A_93, %dma_wait3A_94] : memref<2x2x128xi32, #tpu.memory_space<vmem>> -> memref<1x2x128xi32, #tpu.memory_space<vmem>>
        %dma_wait3A_96 = tpu.memref_squeeze %dma_wait3A_95 : memref<1x2x128xi32, #tpu.memory_space<vmem>> -> memref<2x128xi32, #tpu.memory_space<vmem>>
        %dma_wait3A_97 = arith.constant 0 : i32
        %dma_wait3A_98 = tpu.memref_slice %arg3[%mul3A_91, %dma_wait3A_97] : memref<2500x128xi32, #tpu.memory_space<hbm>> -> memref<2x128xi32, #tpu.memory_space<hbm>>
        %dma_wait3A_99 = arith.constant 0 : i32
        %dma_wait3A_100 = arith.constant 0 : i32
        %dma_wait3A_101 = tpu.memref_slice %arg7[%dma_wait3A_92, %dma_wait3A_99, %dma_wait3A_100] : memref<2x2x128xi32, #tpu.memory_space<vmem>> -> memref<1x2x128xi32, #tpu.memory_space<vmem>>
        %dma_wait3A_102 = tpu.memref_squeeze %dma_wait3A_101 : memref<1x2x128xi32, #tpu.memory_space<vmem>> -> memref<2x128xi32, #tpu.memory_space<vmem>>
        %dma_wait3A_103 = arith.constant 0 : i32
        %dma_wait3A_104 = tpu.memref_slice %arg3[%mul3A_91, %dma_wait3A_103] : memref<2500x128xi32, #tpu.memory_space<hbm>> -> memref<2x128xi32, #tpu.memory_space<hbm>>
        tpu.wait_dma2 semaphore(%arg9 : memref<!tpu.dma_semaphore, #tpu.memory_space<semaphore_mem>>) src(%dma_wait3A_104 : memref<2x128xi32, #tpu.memory_space<hbm>>) dst(%dma_wait3A_102 : memref<2x128xi32, #tpu.memory_space<vmem>>)
        %dma_start3A = arith.constant 0 : i32
        %dma_start3A_105 = arith.constant 0 : i32
        %dma_start3A_106 = arith.constant 0 : i32
        %dma_start3A_107 = arith.constant 0 : i32
        %dma_start3A_108 = arith.constant 0 : i32
        %dma_start3A_109 = tpu.memref_slice %arg6[%dma_start3A, %dma_start3A_107, %dma_start3A_108] : memref<2x256x128xf32, #tpu.memory_space<vmem>> -> memref<1x128x128xf32, #tpu.memory_space<vmem>>
        %dma_start3A_110 = tpu.memref_squeeze %dma_start3A_109 : memref<1x128x128xf32, #tpu.memory_space<vmem>> -> memref<128x128xf32, #tpu.memory_space<vmem>>
        %dma_start3A_111 = arith.constant 0 : i32
        %dma_start3A_112 = tpu.memref_slice %arg7[%dma_start3A_105, %dma_start3A_106, %dma_start3A_111] : memref<2x2x128xi32, #tpu.memory_space<vmem>> -> memref<1x1x128xi32, #tpu.memory_space<vmem>>
        %dma_start3A_113 = tpu.memref_squeeze %dma_start3A_112 : memref<1x1x128xi32, #tpu.memory_space<vmem>> -> memref<128xi32, #tpu.memory_space<vmem>>
        %dma_start3A_114 = arith.constant 0 : i32
        %dma_start3A_115 = arith.constant 0 : i32
        %dma_start3A_116 = tpu.memref_slice %arg8[%dma_start3A_114, %dma_start3A_115] : memref<1000x128xf32, #tpu.memory_space<vmem_shared>> -> memref<1000x128xf32, #tpu.memory_space<vmem_shared>>
        tpu.enqueue_indirect_dma source(%dma_start3A_110 : memref<128x128xf32, #tpu.memory_space<vmem>>) target(%dma_start3A_116 : memref<1000x128xf32, #tpu.memory_space<vmem_shared>>) offsets(%dma_start3A_113 : memref<128xi32, #tpu.memory_space<vmem>>) semaphore(%arg11 : memref<!tpu.dma_semaphore, #tpu.memory_space<semaphore_mem>>) {add = true}
        %dma_start3A_117 = arith.constant 0 : i32
        %dma_start3A_118 = arith.constant 0 : i32
        %dma_start3A_119 = arith.constant 1 : i32
        %dma_start3A_120 = arith.constant 128 : i32
        %dma_start3A_121 = arith.constant 0 : i32
        %dma_start3A_122 = tpu.memref_slice %arg6[%dma_start3A_117, %dma_start3A_120, %dma_start3A_121] : memref<2x256x128xf32, #tpu.memory_space<vmem>> -> memref<1x128x128xf32, #tpu.memory_space<vmem>>
        %dma_start3A_123 = tpu.memref_squeeze %dma_start3A_122 : memref<1x128x128xf32, #tpu.memory_space<vmem>> -> memref<128x128xf32, #tpu.memory_space<vmem>>
        %dma_start3A_124 = arith.constant 0 : i32
        %dma_start3A_125 = tpu.memref_slice %arg7[%dma_start3A_118, %dma_start3A_119, %dma_start3A_124] : memref<2x2x128xi32, #tpu.memory_space<vmem>> -> memref<1x1x128xi32, #tpu.memory_space<vmem>>
        %dma_start3A_126 = tpu.memref_squeeze %dma_start3A_125 : memref<1x1x128xi32, #tpu.memory_space<vmem>> -> memref<128xi32, #tpu.memory_space<vmem>>
        %dma_start3A_127 = arith.constant 0 : i32
        %dma_start3A_128 = arith.constant 0 : i32
        %dma_start3A_129 = tpu.memref_slice %arg8[%dma_start3A_127, %dma_start3A_128] : memref<1000x128xf32, #tpu.memory_space<vmem_shared>> -> memref<1000x128xf32, #tpu.memory_space<vmem_shared>>
        tpu.enqueue_indirect_dma source(%dma_start3A_123 : memref<128x128xf32, #tpu.memory_space<vmem>>) target(%dma_start3A_129 : memref<1000x128xf32, #tpu.memory_space<vmem_shared>>) offsets(%dma_start3A_126 : memref<128xi32, #tpu.memory_space<vmem>>) semaphore(%arg11 : memref<!tpu.dma_semaphore, #tpu.memory_space<semaphore_mem>>) {add = true}
      } else {
      }
      %mul3A_52 = arith.constant 2 : i32
      %mul3A_53 = arith.muli %mul3A_52, %scan3A_31 : i32
      %add3A_54 = arith.constant 1 : i32
      %add3A_55 = arith.addi %mul3A_53, %add3A_54 : i32
      %ge3A_56 = arith.constant 1 : i32
      %ge3A_57 = arith.cmpi sge, %add3A_55, %ge3A_56 : i32
      %sub3A_58 = arith.constant 1 : i32
      %sub3A_59 = arith.subi %add3A_55, %sub3A_58 : i32
      %lt3A_60 = arith.cmpi slt, %sub3A_59, %add3A_6 : i32
      %and3A_61 = arith.andi %ge3A_57, %lt3A_60 : i1
      %convert_element_type3A_62 = arith.extui %and3A_61 : i1 to i32
      %cond3A_63 = arith.constant 0 : i32
      %cond3A_64 = arith.cmpi ne, %convert_element_type3A_62, %cond3A_63 : i32
      scf.if %cond3A_64 {
        %dma_wait3A = arith.constant 0 : i32
        %dma_wait3A_75 = arith.constant 0 : i32
        %dma_wait3A_76 = arith.constant 0 : i32
        %dma_wait3A_77 = arith.constant 0 : i32
        %dma_wait3A_78 = arith.constant 0 : i32
        %dma_wait3A_79 = tpu.memref_slice %arg6[%dma_wait3A, %dma_wait3A_77, %dma_wait3A_78] : memref<2x256x128xf32, #tpu.memory_space<vmem>> -> memref<1x128x128xf32, #tpu.memory_space<vmem>>
        %dma_wait3A_80 = tpu.memref_squeeze %dma_wait3A_79 : memref<1x128x128xf32, #tpu.memory_space<vmem>> -> memref<128x128xf32, #tpu.memory_space<vmem>>
        %dma_wait3A_81 = arith.constant 0 : i32
        %dma_wait3A_82 = tpu.memref_slice %arg7[%dma_wait3A_75, %dma_wait3A_76, %dma_wait3A_81] : memref<2x2x128xi32, #tpu.memory_space<vmem>> -> memref<1x1x128xi32, #tpu.memory_space<vmem>>
        %dma_wait3A_83 = tpu.memref_squeeze %dma_wait3A_82 : memref<1x1x128xi32, #tpu.memory_space<vmem>> -> memref<128xi32, #tpu.memory_space<vmem>>
        %dma_wait3A_84 = arith.constant 0 : i32
        %dma_wait3A_85 = arith.constant 0 : i32
        %dma_wait3A_86 = tpu.memref_slice %arg8[%dma_wait3A_84, %dma_wait3A_85] : memref<1000x128xf32, #tpu.memory_space<vmem_shared>> -> memref<1000x128xf32, #tpu.memory_space<vmem_shared>>
        tpu.wait_indirect_dma semaphore(%arg11 : memref<!tpu.dma_semaphore, #tpu.memory_space<semaphore_mem>>) src(%dma_wait3A_80 : memref<128x128xf32, #tpu.memory_space<vmem>>) dst(%dma_wait3A_86 : memref<1000x128xf32, #tpu.memory_space<vmem_shared>>)
        %dma_wait3A_87 = arith.constant 0 : i32
        %dma_wait3A_88 = arith.constant 0 : i32
        %dma_wait3A_89 = arith.constant 1 : i32
        %dma_wait3A_90 = arith.constant 128 : i32
        %dma_wait3A_91 = arith.constant 0 : i32
        %dma_wait3A_92 = tpu.memref_slice %arg6[%dma_wait3A_87, %dma_wait3A_90, %dma_wait3A_91] : memref<2x256x128xf32, #tpu.memory_space<vmem>> -> memref<1x128x128xf32, #tpu.memory_space<vmem>>
        %dma_wait3A_93 = tpu.memref_squeeze %dma_wait3A_92 : memref<1x128x128xf32, #tpu.memory_space<vmem>> -> memref<128x128xf32, #tpu.memory_space<vmem>>
        %dma_wait3A_94 = arith.constant 0 : i32
        %dma_wait3A_95 = tpu.memref_slice %arg7[%dma_wait3A_88, %dma_wait3A_89, %dma_wait3A_94] : memref<2x2x128xi32, #tpu.memory_space<vmem>> -> memref<1x1x128xi32, #tpu.memory_space<vmem>>
        %dma_wait3A_96 = tpu.memref_squeeze %dma_wait3A_95 : memref<1x1x128xi32, #tpu.memory_space<vmem>> -> memref<128xi32, #tpu.memory_space<vmem>>
        %dma_wait3A_97 = arith.constant 0 : i32
        %dma_wait3A_98 = arith.constant 0 : i32
        %dma_wait3A_99 = tpu.memref_slice %arg8[%dma_wait3A_97, %dma_wait3A_98] : memref<1000x128xf32, #tpu.memory_space<vmem_shared>> -> memref<1000x128xf32, #tpu.memory_space<vmem_shared>>
        tpu.wait_indirect_dma semaphore(%arg11 : memref<!tpu.dma_semaphore, #tpu.memory_space<semaphore_mem>>) src(%dma_wait3A_93 : memref<128x128xf32, #tpu.memory_space<vmem>>) dst(%dma_wait3A_99 : memref<1000x128xf32, #tpu.memory_space<vmem_shared>>)
      } else {
      }
      %add3A_65 = arith.constant 1 : i32
      %add3A_66 = arith.addi %add3A_55, %add3A_65 : i32
      %lt3A_67 = arith.cmpi slt, %add3A_66, %add3A_6 : i32
      %convert_element_type3A_68 = arith.extui %lt3A_67 : i1 to i32
      %cond3A_69 = arith.constant 0 : i32
      %cond3A_70 = arith.cmpi ne, %convert_element_type3A_68, %cond3A_69 : i32
      scf.if %cond3A_70 {
        %add3A_75 = arith.constant 1 : i32
        %add3A_76 = arith.addi %add3A_55, %add3A_75 : i32
        %add3A_77 = arith.addi %add3A_10, %add3A_76 : i32
        %mul3A_78 = arith.constant 256 : i32
        %mul3A_79 = arith.muli %add3A_77, %mul3A_78 : i32
        %dma_start3A = arith.constant 0 : i32
        %dma_start3A_80 = arith.constant 0 : i32
        %dma_start3A_81 = arith.constant 0 : i32
        %dma_start3A_82 = tpu.memref_slice %arg6[%dma_start3A, %dma_start3A_80, %dma_start3A_81] : memref<2x256x128xf32, #tpu.memory_space<vmem>> -> memref<1x256x128xf32, #tpu.memory_space<vmem>>
        %dma_start3A_83 = tpu.memref_squeeze %dma_start3A_82 : memref<1x256x128xf32, #tpu.memory_space<vmem>> -> memref<256x128xf32, #tpu.memory_space<vmem>>
        %dma_start3A_84 = arith.constant 0 : i32
        %dma_start3A_85 = tpu.memref_slice %arg2[%mul3A_79, %dma_start3A_84] : memref<320000x128xf32, #tpu.memory_space<hbm>> -> memref<256x128xf32, #tpu.memory_space<hbm>>
        %dma_start3A_86 = arith.constant 0 : i32
        %dma_start3A_87 = arith.constant 0 : i32
        %dma_start3A_88 = tpu.memref_slice %arg6[%dma_start3A, %dma_start3A_86, %dma_start3A_87] : memref<2x256x128xf32, #tpu.memory_space<vmem>> -> memref<1x256x128xf32, #tpu.memory_space<vmem>>
        %dma_start3A_89 = tpu.memref_squeeze %dma_start3A_88 : memref<1x256x128xf32, #tpu.memory_space<vmem>> -> memref<256x128xf32, #tpu.memory_space<vmem>>
        %dma_start3A_90 = arith.constant 0 : i32
        %dma_start3A_91 = tpu.memref_slice %arg2[%mul3A_79, %dma_start3A_90] : memref<320000x128xf32, #tpu.memory_space<hbm>> -> memref<256x128xf32, #tpu.memory_space<hbm>>
        tpu.enqueue_dma source(%dma_start3A_91 : memref<256x128xf32, #tpu.memory_space<hbm>>) target(%dma_start3A_89 : memref<256x128xf32, #tpu.memory_space<vmem>>) target_semaphore(%arg9 : memref<!tpu.dma_semaphore, #tpu.memory_space<semaphore_mem>>)
        %mul3A_92 = arith.constant 2 : i32
        %mul3A_93 = arith.muli %add3A_77, %mul3A_92 : i32
        %dma_start3A_94 = arith.constant 0 : i32
        %dma_start3A_95 = arith.constant 0 : i32
        %dma_start3A_96 = arith.constant 0 : i32
        %dma_start3A_97 = tpu.memref_slice %arg7[%dma_start3A_94, %dma_start3A_95, %dma_start3A_96] : memref<2x2x128xi32, #tpu.memory_space<vmem>> -> memref<1x2x128xi32, #tpu.memory_space<vmem>>
        %dma_start3A_98 = tpu.memref_squeeze %dma_start3A_97 : memref<1x2x128xi32, #tpu.memory_space<vmem>> -> memref<2x128xi32, #tpu.memory_space<vmem>>
        %dma_start3A_99 = arith.constant 0 : i32
        %dma_start3A_100 = tpu.memref_slice %arg3[%mul3A_93, %dma_start3A_99] : memref<2500x128xi32, #tpu.memory_space<hbm>> -> memref<2x128xi32, #tpu.memory_space<hbm>>
        %dma_start3A_101 = arith.constant 0 : i32
        %dma_start3A_102 = arith.constant 0 : i32
        %dma_start3A_103 = tpu.memref_slice %arg7[%dma_start3A_94, %dma_start3A_101, %dma_start3A_102] : memref<2x2x128xi32, #tpu.memory_space<vmem>> -> memref<1x2x128xi32, #tpu.memory_space<vmem>>
        %dma_start3A_104 = tpu.memref_squeeze %dma_start3A_103 : memref<1x2x128xi32, #tpu.memory_space<vmem>> -> memref<2x128xi32, #tpu.memory_space<vmem>>
        %dma_start3A_105 = arith.constant 0 : i32
        %dma_start3A_106 = tpu.memref_slice %arg3[%mul3A_93, %dma_start3A_105] : memref<2500x128xi32, #tpu.memory_space<hbm>> -> memref<2x128xi32, #tpu.memory_space<hbm>>
        tpu.enqueue_dma source(%dma_start3A_106 : memref<2x128xi32, #tpu.memory_space<hbm>>) target(%dma_start3A_104 : memref<2x128xi32, #tpu.memory_space<vmem>>) target_semaphore(%arg9 : memref<!tpu.dma_semaphore, #tpu.memory_space<semaphore_mem>>)
      } else {
      }
      %lt3A_71 = arith.cmpi slt, %add3A_55, %add3A_6 : i32
      %convert_element_type3A_72 = arith.extui %lt3A_71 : i1 to i32
      %cond3A_73 = arith.constant 0 : i32
      %cond3A_74 = arith.cmpi ne, %convert_element_type3A_72, %cond3A_73 : i32
      scf.if %cond3A_74 {
        %add3A_75 = arith.addi %add3A_10, %add3A_55 : i32
        %mul3A_76 = arith.constant 256 : i32
        %mul3A_77 = arith.muli %add3A_75, %mul3A_76 : i32
        %dma_wait3A = arith.constant 1 : i32
        %dma_wait3A_78 = arith.constant 0 : i32
        %dma_wait3A_79 = arith.constant 0 : i32
        %dma_wait3A_80 = tpu.memref_slice %arg6[%dma_wait3A, %dma_wait3A_78, %dma_wait3A_79] : memref<2x256x128xf32, #tpu.memory_space<vmem>> -> memref<1x256x128xf32, #tpu.memory_space<vmem>>
        %dma_wait3A_81 = tpu.memref_squeeze %dma_wait3A_80 : memref<1x256x128xf32, #tpu.memory_space<vmem>> -> memref<256x128xf32, #tpu.memory_space<vmem>>
        %dma_wait3A_82 = arith.constant 0 : i32
        %dma_wait3A_83 = tpu.memref_slice %arg2[%mul3A_77, %dma_wait3A_82] : memref<320000x128xf32, #tpu.memory_space<hbm>> -> memref<256x128xf32, #tpu.memory_space<hbm>>
        %dma_wait3A_84 = arith.constant 0 : i32
        %dma_wait3A_85 = arith.constant 0 : i32
        %dma_wait3A_86 = tpu.memref_slice %arg6[%dma_wait3A, %dma_wait3A_84, %dma_wait3A_85] : memref<2x256x128xf32, #tpu.memory_space<vmem>> -> memref<1x256x128xf32, #tpu.memory_space<vmem>>
        %dma_wait3A_87 = tpu.memref_squeeze %dma_wait3A_86 : memref<1x256x128xf32, #tpu.memory_space<vmem>> -> memref<256x128xf32, #tpu.memory_space<vmem>>
        %dma_wait3A_88 = arith.constant 0 : i32
        %dma_wait3A_89 = tpu.memref_slice %arg2[%mul3A_77, %dma_wait3A_88] : memref<320000x128xf32, #tpu.memory_space<hbm>> -> memref<256x128xf32, #tpu.memory_space<hbm>>
        tpu.wait_dma2 semaphore(%arg10 : memref<!tpu.dma_semaphore, #tpu.memory_space<semaphore_mem>>) src(%dma_wait3A_89 : memref<256x128xf32, #tpu.memory_space<hbm>>) dst(%dma_wait3A_87 : memref<256x128xf32, #tpu.memory_space<vmem>>)
        %mul3A_90 = arith.constant 2 : i32
        %mul3A_91 = arith.muli %add3A_75, %mul3A_90 : i32
        %dma_wait3A_92 = arith.constant 1 : i32
        %dma_wait3A_93 = arith.constant 0 : i32
        %dma_wait3A_94 = arith.constant 0 : i32
        %dma_wait3A_95 = tpu.memref_slice %arg7[%dma_wait3A_92, %dma_wait3A_93, %dma_wait3A_94] : memref<2x2x128xi32, #tpu.memory_space<vmem>> -> memref<1x2x128xi32, #tpu.memory_space<vmem>>
        %dma_wait3A_96 = tpu.memref_squeeze %dma_wait3A_95 : memref<1x2x128xi32, #tpu.memory_space<vmem>> -> memref<2x128xi32, #tpu.memory_space<vmem>>
        %dma_wait3A_97 = arith.constant 0 : i32
        %dma_wait3A_98 = tpu.memref_slice %arg3[%mul3A_91, %dma_wait3A_97] : memref<2500x128xi32, #tpu.memory_space<hbm>> -> memref<2x128xi32, #tpu.memory_space<hbm>>
        %dma_wait3A_99 = arith.constant 0 : i32
        %dma_wait3A_100 = arith.constant 0 : i32
        %dma_wait3A_101 = tpu.memref_slice %arg7[%dma_wait3A_92, %dma_wait3A_99, %dma_wait3A_100] : memref<2x2x128xi32, #tpu.memory_space<vmem>> -> memref<1x2x128xi32, #tpu.memory_space<vmem>>
        %dma_wait3A_102 = tpu.memref_squeeze %dma_wait3A_101 : memref<1x2x128xi32, #tpu.memory_space<vmem>> -> memref<2x128xi32, #tpu.memory_space<vmem>>
        %dma_wait3A_103 = arith.constant 0 : i32
        %dma_wait3A_104 = tpu.memref_slice %arg3[%mul3A_91, %dma_wait3A_103] : memref<2500x128xi32, #tpu.memory_space<hbm>> -> memref<2x128xi32, #tpu.memory_space<hbm>>
        tpu.wait_dma2 semaphore(%arg10 : memref<!tpu.dma_semaphore, #tpu.memory_space<semaphore_mem>>) src(%dma_wait3A_104 : memref<2x128xi32, #tpu.memory_space<hbm>>) dst(%dma_wait3A_102 : memref<2x128xi32, #tpu.memory_space<vmem>>)
        %dma_start3A = arith.constant 1 : i32
        %dma_start3A_105 = arith.constant 1 : i32
        %dma_start3A_106 = arith.constant 0 : i32
        %dma_start3A_107 = arith.constant 0 : i32
        %dma_start3A_108 = arith.constant 0 : i32
        %dma_start3A_109 = tpu.memref_slice %arg6[%dma_start3A, %dma_start3A_107, %dma_start3A_108] : memref<2x256x128xf32, #tpu.memory_space<vmem>> -> memref<1x128x128xf32, #tpu.memory_space<vmem>>
        %dma_start3A_110 = tpu.memref_squeeze %dma_start3A_109 : memref<1x128x128xf32, #tpu.memory_space<vmem>> -> memref<128x128xf32, #tpu.memory_space<vmem>>
        %dma_start3A_111 = arith.constant 0 : i32
        %dma_start3A_112 = tpu.memref_slice %arg7[%dma_start3A_105, %dma_start3A_106, %dma_start3A_111] : memref<2x2x128xi32, #tpu.memory_space<vmem>> -> memref<1x1x128xi32, #tpu.memory_space<vmem>>
        %dma_start3A_113 = tpu.memref_squeeze %dma_start3A_112 : memref<1x1x128xi32, #tpu.memory_space<vmem>> -> memref<128xi32, #tpu.memory_space<vmem>>
        %dma_start3A_114 = arith.constant 0 : i32
        %dma_start3A_115 = arith.constant 0 : i32
        %dma_start3A_116 = tpu.memref_slice %arg8[%dma_start3A_114, %dma_start3A_115] : memref<1000x128xf32, #tpu.memory_space<vmem_shared>> -> memref<1000x128xf32, #tpu.memory_space<vmem_shared>>
        tpu.enqueue_indirect_dma source(%dma_start3A_110 : memref<128x128xf32, #tpu.memory_space<vmem>>) target(%dma_start3A_116 : memref<1000x128xf32, #tpu.memory_space<vmem_shared>>) offsets(%dma_start3A_113 : memref<128xi32, #tpu.memory_space<vmem>>) semaphore(%arg12 : memref<!tpu.dma_semaphore, #tpu.memory_space<semaphore_mem>>) {add = true}
        %dma_start3A_117 = arith.constant 1 : i32
        %dma_start3A_118 = arith.constant 1 : i32
        %dma_start3A_119 = arith.constant 1 : i32
        %dma_start3A_120 = arith.constant 128 : i32
        %dma_start3A_121 = arith.constant 0 : i32
        %dma_start3A_122 = tpu.memref_slice %arg6[%dma_start3A_117, %dma_start3A_120, %dma_start3A_121] : memref<2x256x128xf32, #tpu.memory_space<vmem>> -> memref<1x128x128xf32, #tpu.memory_space<vmem>>
        %dma_start3A_123 = tpu.memref_squeeze %dma_start3A_122 : memref<1x128x128xf32, #tpu.memory_space<vmem>> -> memref<128x128xf32, #tpu.memory_space<vmem>>
        %dma_start3A_124 = arith.constant 0 : i32
        %dma_start3A_125 = tpu.memref_slice %arg7[%dma_start3A_118, %dma_start3A_119, %dma_start3A_124] : memref<2x2x128xi32, #tpu.memory_space<vmem>> -> memref<1x1x128xi32, #tpu.memory_space<vmem>>
        %dma_start3A_126 = tpu.memref_squeeze %dma_start3A_125 : memref<1x1x128xi32, #tpu.memory_space<vmem>> -> memref<128xi32, #tpu.memory_space<vmem>>
        %dma_start3A_127 = arith.constant 0 : i32
        %dma_start3A_128 = arith.constant 0 : i32
        %dma_start3A_129 = tpu.memref_slice %arg8[%dma_start3A_127, %dma_start3A_128] : memref<1000x128xf32, #tpu.memory_space<vmem_shared>> -> memref<1000x128xf32, #tpu.memory_space<vmem_shared>>
        tpu.enqueue_indirect_dma source(%dma_start3A_123 : memref<128x128xf32, #tpu.memory_space<vmem>>) target(%dma_start3A_129 : memref<1000x128xf32, #tpu.memory_space<vmem_shared>>) offsets(%dma_start3A_126 : memref<128xi32, #tpu.memory_space<vmem>>) semaphore(%arg12 : memref<!tpu.dma_semaphore, #tpu.memory_space<semaphore_mem>>) {add = true}
      } else {
      }
    }
    %scan3A_19 = arith.constant 20 : i32
    %eq3A_20 = arith.constant 40 : i32
    %eq3A_21 = arith.cmpi eq, %add3A_6, %eq3A_20 : i32
    %convert_element_type3A_22 = arith.extui %eq3A_21 : i1 to i32
    %cond3A_23 = arith.constant 0 : i32
    %cond3A_24 = arith.cmpi ne, %convert_element_type3A_22, %cond3A_23 : i32
    scf.if %cond3A_24 {
      %dma_wait3A = arith.constant 1 : i32
      %dma_wait3A_31 = arith.constant 1 : i32
      %dma_wait3A_32 = arith.constant 0 : i32
      %dma_wait3A_33 = arith.constant 0 : i32
      %dma_wait3A_34 = arith.constant 0 : i32
      %dma_wait3A_35 = tpu.memref_slice %arg6[%dma_wait3A, %dma_wait3A_33, %dma_wait3A_34] : memref<2x256x128xf32, #tpu.memory_space<vmem>> -> memref<1x128x128xf32, #tpu.memory_space<vmem>>
      %dma_wait3A_36 = tpu.memref_squeeze %dma_wait3A_35 : memref<1x128x128xf32, #tpu.memory_space<vmem>> -> memref<128x128xf32, #tpu.memory_space<vmem>>
      %dma_wait3A_37 = arith.constant 0 : i32
      %dma_wait3A_38 = tpu.memref_slice %arg7[%dma_wait3A_31, %dma_wait3A_32, %dma_wait3A_37] : memref<2x2x128xi32, #tpu.memory_space<vmem>> -> memref<1x1x128xi32, #tpu.memory_space<vmem>>
      %dma_wait3A_39 = tpu.memref_squeeze %dma_wait3A_38 : memref<1x1x128xi32, #tpu.memory_space<vmem>> -> memref<128xi32, #tpu.memory_space<vmem>>
      %dma_wait3A_40 = arith.constant 0 : i32
      %dma_wait3A_41 = arith.constant 0 : i32
      %dma_wait3A_42 = tpu.memref_slice %arg8[%dma_wait3A_40, %dma_wait3A_41] : memref<1000x128xf32, #tpu.memory_space<vmem_shared>> -> memref<1000x128xf32, #tpu.memory_space<vmem_shared>>
      tpu.wait_indirect_dma semaphore(%arg12 : memref<!tpu.dma_semaphore, #tpu.memory_space<semaphore_mem>>) src(%dma_wait3A_36 : memref<128x128xf32, #tpu.memory_space<vmem>>) dst(%dma_wait3A_42 : memref<1000x128xf32, #tpu.memory_space<vmem_shared>>)
      %dma_wait3A_43 = arith.constant 1 : i32
      %dma_wait3A_44 = arith.constant 1 : i32
      %dma_wait3A_45 = arith.constant 1 : i32
      %dma_wait3A_46 = arith.constant 128 : i32
      %dma_wait3A_47 = arith.constant 0 : i32
      %dma_wait3A_48 = tpu.memref_slice %arg6[%dma_wait3A_43, %dma_wait3A_46, %dma_wait3A_47] : memref<2x256x128xf32, #tpu.memory_space<vmem>> -> memref<1x128x128xf32, #tpu.memory_space<vmem>>
      %dma_wait3A_49 = tpu.memref_squeeze %dma_wait3A_48 : memref<1x128x128xf32, #tpu.memory_space<vmem>> -> memref<128x128xf32, #tpu.memory_space<vmem>>
      %dma_wait3A_50 = arith.constant 0 : i32
      %dma_wait3A_51 = tpu.memref_slice %arg7[%dma_wait3A_44, %dma_wait3A_45, %dma_wait3A_50] : memref<2x2x128xi32, #tpu.memory_space<vmem>> -> memref<1x1x128xi32, #tpu.memory_space<vmem>>
      %dma_wait3A_52 = tpu.memref_squeeze %dma_wait3A_51 : memref<1x1x128xi32, #tpu.memory_space<vmem>> -> memref<128xi32, #tpu.memory_space<vmem>>
      %dma_wait3A_53 = arith.constant 0 : i32
      %dma_wait3A_54 = arith.constant 0 : i32
      %dma_wait3A_55 = tpu.memref_slice %arg8[%dma_wait3A_53, %dma_wait3A_54] : memref<1000x128xf32, #tpu.memory_space<vmem_shared>> -> memref<1000x128xf32, #tpu.memory_space<vmem_shared>>
      tpu.wait_indirect_dma semaphore(%arg12 : memref<!tpu.dma_semaphore, #tpu.memory_space<semaphore_mem>>) src(%dma_wait3A_49 : memref<128x128xf32, #tpu.memory_space<vmem>>) dst(%dma_wait3A_55 : memref<1000x128xf32, #tpu.memory_space<vmem_shared>>)
    } else {
    }
    %barrier3A_25 = arith.constant 0 : index
    tpu.barrier barrier_id(%barrier3A_25)
    %eq3A_26 = arith.constant 0 : i32
    %eq3A_27 = arith.cmpi eq, %arg1, %eq3A_26 : i32
    %convert_element_type3A_28 = arith.extui %eq3A_27 : i1 to i32
    %cond3A_29 = arith.constant 0 : i32
    %cond3A_30 = arith.cmpi ne, %convert_element_type3A_28, %cond3A_29 : i32
    scf.if %cond3A_30 {
      "tpu.region"() ({
        %run_scoped3A = tpu.sem_alloc : memref<!tpu.dma_semaphore, #tpu.memory_space<semaphore_mem>>
        %dma_start3A = arith.constant 0 : i32
        %dma_start3A_31 = arith.constant 0 : i32
        %dma_start3A_32 = tpu.memref_slice %arg5[%arg0, %dma_start3A, %dma_start3A_31] : memref<2x1000x128xf32, #tpu.memory_space<hbm>> -> memref<1x1000x128xf32, #tpu.memory_space<hbm>>
        %dma_start3A_33 = tpu.memref_squeeze %dma_start3A_32 : memref<1x1000x128xf32, #tpu.memory_space<hbm>> -> memref<1000x128xf32, #tpu.memory_space<hbm>>
        tpu.enqueue_dma source(%arg8 : memref<1000x128xf32, #tpu.memory_space<vmem_shared>>) target(%dma_start3A_33 : memref<1000x128xf32, #tpu.memory_space<hbm>>) target_semaphore(%run_scoped3A : memref<!tpu.dma_semaphore, #tpu.memory_space<semaphore_mem>>)
        %dma_wait3A = arith.constant 0 : i32
        %dma_wait3A_34 = arith.constant 0 : i32
        %dma_wait3A_35 = tpu.memref_slice %arg5[%arg0, %dma_wait3A, %dma_wait3A_34] : memref<2x1000x128xf32, #tpu.memory_space<hbm>> -> memref<1x1000x128xf32, #tpu.memory_space<hbm>>
        %dma_wait3A_36 = tpu.memref_squeeze %dma_wait3A_35 : memref<1x1000x128xf32, #tpu.memory_space<hbm>> -> memref<1000x128xf32, #tpu.memory_space<hbm>>
        tpu.wait_dma2 semaphore(%run_scoped3A : memref<!tpu.dma_semaphore, #tpu.memory_space<semaphore_mem>>) src(%arg8 : memref<1000x128xf32, #tpu.memory_space<vmem_shared>>) dst(%dma_wait3A_36 : memref<1000x128xf32, #tpu.memory_space<hbm>>)
        tpu.yield
      }) : () -> ()
    } else {
    }
    return
  }
}

module attributes {stable_mosaic.version = 14 : i64} {
  func.func @_hist_body(%arg0: i32, %arg1: memref<25x12800xi32, #tpu.memory_space<vmem>>, %arg2: memref<1024x8xf32, #tpu.memory_space<vmem>>) attributes {dimension_semantics = [#tpu.dimension_semantics<arbitrary>], iteration_bounds = array<i64: 25>, scalar_prefetch = 0 : i64, scratch_operands = 0 : i64, tpu.core_type = #tpu.core_type<tc>, window_params = [{pipeline_mode = #tpu.pipeline_mode<synchronous>, transform_indices = @transform_0, window_bounds = array<i64: 25, 12800>}, {pipeline_mode = #tpu.pipeline_mode<synchronous>, transform_indices = @transform_1, window_bounds = array<i64: 1024, 8>}]} {
    %eq3A = arith.constant 0 : i32
    %eq3A_0 = arith.cmpi eq, %arg0, %eq3A : i32
    %convert_element_type3A = arith.extui %eq3A_0 : i1 to i32
    %cond3A = arith.constant 0 : i32
    %cond3A_1 = arith.cmpi ne, %convert_element_type3A, %cond3A : i32
    scf.if %cond3A_1 {
      %broadcast_in_dim3A = arith.constant 0.000000e+00 : f32
      %broadcast_in_dim3A_16 = vector.broadcast %broadcast_in_dim3A : f32 to vector<1024x8xf32>
      %swap3A = arith.constant 0 : index
      %swap3A_17 = arith.constant 0 : index
      %swap3A_18 = vector.load %arg2[%swap3A, %swap3A_17] : memref<1024x8xf32, #tpu.memory_space<vmem>>, vector<1024x8xf32>
      tpu.vector_store %arg2[%swap3A, %swap3A_17], %broadcast_in_dim3A_16 {strides = array<i32>} : memref<1024x8xf32, #tpu.memory_space<vmem>>, vector<1024x8xf32>,
    } else {
    }
    %get3A = arith.index_cast %arg0 : i32 to index
    %get3A_2 = arith.constant 0 : index
    %get3A_3 = vector.load %arg1[%get3A, %get3A_2] : memref<25x12800xi32, #tpu.memory_space<vmem>>, vector<1x12800xi32>
    %slice3A = vector.extract_strided_slice %get3A_3 {offsets = [0, 0], sizes = [1, 1], strides = [1, 1]} : vector<1x12800xi32> to vector<1x1xi32>
    %squeeze3A = vector.extract %slice3A[0, 0] : i32 from vector<1x1xi32>
    %slice3A_4 = vector.extract_strided_slice %get3A_3 {offsets = [0, 12799], sizes = [1, 1], strides = [1, 1]} : vector<1x12800xi32> to vector<1x1xi32>
    %squeeze3A_5 = vector.extract %slice3A_4[0, 0] : i32 from vector<1x1xi32>
    %and3A = arith.constant -8 : i32
    %and3A_6 = arith.andi %squeeze3A, %and3A : i32
    %min3A = arith.constant 896 : i32
    %min3A_7 = arith.minsi %and3A_6, %min3A : i32
    %sub3A = arith.subi %squeeze3A_5, %min3A_7 : i32
    %lt3A = arith.constant 128 : i32
    %lt3A_8 = arith.cmpi slt, %sub3A, %lt3A : i32
    %convert_element_type3A_9 = arith.extui %lt3A_8 : i1 to i32
    %cond3A_10 = arith.constant 0 : i32
    %cond3A_11 = arith.cmpi ne, %convert_element_type3A_9, %cond3A_10 : i32
    scf.if %cond3A_11 {
      %broadcast_in_dim3A = vector.shape_cast %get3A_3 : vector<1x12800xi32> to vector<1x12800xi32>
      %broadcast_in_dim3A_16 = vector.broadcast %broadcast_in_dim3A : vector<1x12800xi32> to vector<128x12800xi32>
      %iota3A = tpu.iota {dimensions = array<i32: 0>} : vector<128x12800xi32>
      %add3A = vector.broadcast %min3A_7 : i32 to vector<128x12800xi32>
      %add3A_17 = arith.addi %iota3A, %add3A : vector<128x12800xi32>
      %eq3A_18 = arith.cmpi eq, %broadcast_in_dim3A_16, %add3A_17 : vector<128x12800xi32>
      %convert_element_type3A_19 = arith.extui %eq3A_18 : vector<128x12800xi1> to vector<128x12800xi32>
      %convert_element_type3A_20 = arith.sitofp %convert_element_type3A_19 : vector<128x12800xi32> to vector<128x12800xf32>
      %get3A_21 = arith.index_cast %min3A_7 : i32 to index
      %get3A_22 = arith.constant 0 : index
      %get3A_23 = vector.load %arg2[%get3A_21, %get3A_22] : memref<1024x8xf32, #tpu.memory_space<vmem>>, vector<128x8xf32>
      %reduce_sum3A = arith.constant dense<0.000000e+00> : vector<128xf32>
      %reduce_sum3A_24 = vector.multi_reduction <add>, %convert_element_type3A_20, %reduce_sum3A [1] : vector<128x12800xf32> to vector<128xf32>
      %broadcast_in_dim3A_25 = vector.shape_cast %reduce_sum3A_24 : vector<128xf32> to vector<128x1xf32>
      %broadcast_in_dim3A_26 = vector.shape_cast %broadcast_in_dim3A_25 : vector<128x1xf32> to vector<128x1xf32>
      %broadcast_in_dim3A_27 = vector.broadcast %broadcast_in_dim3A_26 : vector<128x1xf32> to vector<128x8xf32>
      %add3A_28 = arith.addf %get3A_23, %broadcast_in_dim3A_27 : vector<128x8xf32>
      %swap3A = arith.index_cast %min3A_7 : i32 to index
      %swap3A_29 = arith.constant 0 : index
      %swap3A_30 = vector.load %arg2[%swap3A, %swap3A_29] : memref<1024x8xf32, #tpu.memory_space<vmem>>, vector<128x8xf32>
      tpu.vector_store %arg2[%swap3A, %swap3A_29], %add3A_28 {strides = array<i32>} : memref<1024x8xf32, #tpu.memory_space<vmem>>, vector<128x8xf32>,
    } else {
    }
    %not3A = arith.constant true
    %not3A_12 = arith.xori %lt3A_8, %not3A : i1
    %convert_element_type3A_13 = arith.extui %not3A_12 : i1 to i32
    %cond3A_14 = arith.constant 0 : i32
    %cond3A_15 = arith.cmpi ne, %convert_element_type3A_13, %cond3A_14 : i32
    scf.if %cond3A_15 {
      %broadcast_in_dim3A = vector.shape_cast %get3A_3 : vector<1x12800xi32> to vector<1x12800xi32>
      %broadcast_in_dim3A_16 = vector.broadcast %broadcast_in_dim3A : vector<1x12800xi32> to vector<1024x12800xi32>
      %iota3A = tpu.iota {dimensions = array<i32: 0>} : vector<1024x12800xi32>
      %eq3A_17 = arith.cmpi eq, %broadcast_in_dim3A_16, %iota3A : vector<1024x12800xi32>
      %convert_element_type3A_18 = arith.extui %eq3A_17 : vector<1024x12800xi1> to vector<1024x12800xi32>
      %convert_element_type3A_19 = arith.sitofp %convert_element_type3A_18 : vector<1024x12800xi32> to vector<1024x12800xf32>
      %get3A_20 = arith.constant 0 : index
      %get3A_21 = arith.constant 0 : index
      %get3A_22 = vector.load %arg2[%get3A_20, %get3A_21] : memref<1024x8xf32, #tpu.memory_space<vmem>>, vector<1024x8xf32>
      %reduce_sum3A = arith.constant dense<0.000000e+00> : vector<1024xf32>
      %reduce_sum3A_23 = vector.multi_reduction <add>, %convert_element_type3A_19, %reduce_sum3A [1] : vector<1024x12800xf32> to vector<1024xf32>
      %broadcast_in_dim3A_24 = vector.shape_cast %reduce_sum3A_23 : vector<1024xf32> to vector<1024x1xf32>
      %broadcast_in_dim3A_25 = vector.shape_cast %broadcast_in_dim3A_24 : vector<1024x1xf32> to vector<1024x1xf32>
      %broadcast_in_dim3A_26 = vector.broadcast %broadcast_in_dim3A_25 : vector<1024x1xf32> to vector<1024x8xf32>
      %add3A = arith.addf %get3A_22, %broadcast_in_dim3A_26 : vector<1024x8xf32>
      %swap3A = arith.constant 0 : index
      %swap3A_27 = arith.constant 0 : index
      %swap3A_28 = vector.load %arg2[%swap3A, %swap3A_27] : memref<1024x8xf32, #tpu.memory_space<vmem>>, vector<1024x8xf32>
      tpu.vector_store %arg2[%swap3A, %swap3A_27], %add3A {strides = array<i32>} : memref<1024x8xf32, #tpu.memory_space<vmem>>, vector<1024x8xf32>,
    } else {
    }
    return
  }
  func.func @transform_0(%arg0: i32) -> (i32, i32) {
    %c0_i32 = arith.constant 0 : i32
    %c0_i32_0 = arith.constant 0 : i32
    %c0_i32_1 = arith.constant 0 : i32
    return %c0_i32, %c0_i32_0 : i32, i32
  }
  func.func @transform_1(%arg0: i32) -> (i32, i32) {
    %c0_i32 = arith.constant 0 : i32
    %c0_i32_0 = arith.constant 0 : i32
    %c0_i32_1 = arith.constant 0 : i32
    return %c0_i32, %c0_i32_0 : i32, i32
  }
}

module attributes {stable_mosaic.version = 14 : i64} {
  func.func @_sm_body(%arg0: i32, %arg1: memref<1024x128xf32, #tpu.memory_space<vmem>>, %arg2: memref<2x1000x128xf32, #tpu.memory_space<vmem>>, %arg3: memref<1024x8xf32, #tpu.memory_space<vmem>>, %arg4: memref<1024x1000xf32, #tpu.memory_space<vmem>>) attributes {dimension_semantics = [#tpu.dimension_semantics<arbitrary>], iteration_bounds = array<i64: 4>, scalar_prefetch = 0 : i64, scratch_operands = 0 : i64, tpu.core_type = #tpu.core_type<tc>, window_params = [{transform_indices = @transform_0, window_bounds = array<i64: 1024, 128>}, {pipeline_mode = #tpu.pipeline_mode<synchronous>, transform_indices = @transform_1, window_bounds = array<i64: 2, 1000, 128>}, {pipeline_mode = #tpu.pipeline_mode<synchronous>, transform_indices = @transform_2, window_bounds = array<i64: 1024, 8>}, {transform_indices = @transform_3, window_bounds = array<i64: 1024, 1000>}]} {
    %get3A = arith.constant 0 : index
    %get3A_0 = arith.constant 0 : index
    %get3A_1 = arith.constant 0 : index
    %get3A_2 = vector.load %arg2[%get3A, %get3A_0, %get3A_1] : memref<2x1000x128xf32, #tpu.memory_space<vmem>>, vector<1x1000x128xf32>
    %get3A_3 = vector.shape_cast %get3A_2 : vector<1x1000x128xf32> to vector<1000x128xf32>
    %get3A_4 = arith.constant 1 : index
    %get3A_5 = arith.constant 0 : index
    %get3A_6 = arith.constant 0 : index
    %get3A_7 = vector.load %arg2[%get3A_4, %get3A_5, %get3A_6] : memref<2x1000x128xf32, #tpu.memory_space<vmem>>, vector<1x1000x128xf32>
    %get3A_8 = vector.shape_cast %get3A_7 : vector<1x1000x128xf32> to vector<1000x128xf32>
    %add3A = arith.addf %get3A_3, %get3A_8 : vector<1000x128xf32>
    %get3A_9 = arith.constant 0 : index
    %get3A_10 = arith.constant 0 : index
    %get3A_11 = vector.load %arg3[%get3A_9, %get3A_10] : memref<1024x8xf32, #tpu.memory_space<vmem>>, vector<1000x1xf32>
    %max3A = arith.constant 1.000000e+00 : f32
    %max3A_12 = vector.broadcast %max3A : f32 to vector<1000x1xf32>
    %max3A_13 = arith.maximumf %get3A_11, %max3A_12 : vector<1000x1xf32>
    %div3A = vector.broadcast %max3A_13 : vector<1000x1xf32> to vector<1000x128xf32>
    %div3A_14 = arith.divf %add3A, %div3A : vector<1000x128xf32>
    %get3A_15 = arith.constant 0 : index
    %get3A_16 = arith.constant 0 : index
    %get3A_17 = vector.load %arg1[%get3A_15, %get3A_16] : memref<1024x128xf32, #tpu.memory_space<vmem>>, vector<1024x128xf32>
    %dot_general3A = arith.constant dense<0.000000e+00> : vector<1024x1000xf32>
    %dot_general3A_18 = tpu.matmul %get3A_17, %div3A_14, %dot_general3A {dimension_numbers = #tpu.dot_dimension_numbers<[1], [1], [0], [0], [0, 0, 1, 0], [], []>, transpose_lhs_hint = false} : vector<1024x128xf32>, vector<1000x128xf32>, vector<1024x1000xf32> -> vector<1024x1000xf32>
    %reduce_max3A = arith.constant dense<0xFF800000> : vector<1024xf32>
    %reduce_max3A_19 = vector.multi_reduction <maximumf>, %dot_general3A_18, %reduce_max3A [1] : vector<1024x1000xf32> to vector<1024xf32>
    %broadcast_in_dim3A = vector.shape_cast %reduce_max3A_19 : vector<1024xf32> to vector<1024x1xf32>
    %sub3A = vector.broadcast %broadcast_in_dim3A : vector<1024x1xf32> to vector<1024x1000xf32>
    %sub3A_20 = arith.subf %dot_general3A_18, %sub3A : vector<1024x1000xf32>
    %exp3A = math.exp %sub3A_20 : vector<1024x1000xf32>
    %reduce_sum3A = arith.constant dense<0.000000e+00> : vector<1024xf32>
    %reduce_sum3A_21 = vector.multi_reduction <add>, %exp3A, %reduce_sum3A [1] : vector<1024x1000xf32> to vector<1024xf32>
    %broadcast_in_dim3A_22 = vector.shape_cast %reduce_sum3A_21 : vector<1024xf32> to vector<1024x1xf32>
    %div3A_23 = vector.broadcast %broadcast_in_dim3A_22 : vector<1024x1xf32> to vector<1024x1000xf32>
    %div3A_24 = arith.divf %exp3A, %div3A_23 : vector<1024x1000xf32>
    %swap3A = arith.constant 0 : index
    %swap3A_25 = arith.constant 0 : index
    %swap3A_26 = vector.load %arg4[%swap3A, %swap3A_25] : memref<1024x1000xf32, #tpu.memory_space<vmem>>, vector<1024x1000xf32>
    tpu.vector_store %arg4[%swap3A, %swap3A_25], %div3A_24 {strides = array<i32>} : memref<1024x1000xf32, #tpu.memory_space<vmem>>, vector<1024x1000xf32>,
    return
  }
  func.func @transform_0(%arg0: i32) -> (i32, i32) {
    %c0_i32 = arith.constant 0 : i32
    %c0_i32_0 = arith.constant 0 : i32
    return %arg0, %c0_i32 : i32, i32
  }
  func.func @transform_1(%arg0: i32) -> (i32, i32, i32) {
    %c0_i32 = arith.constant 0 : i32
    %c0_i32_0 = arith.constant 0 : i32
    %c0_i32_1 = arith.constant 0 : i32
    %c0_i32_2 = arith.constant 0 : i32
    return %c0_i32, %c0_i32_0, %c0_i32_1 : i32, i32, i32
  }
  func.func @transform_2(%arg0: i32) -> (i32, i32) {
    %c0_i32 = arith.constant 0 : i32
    %c0_i32_0 = arith.constant 0 : i32
    %c0_i32_1 = arith.constant 0 : i32
    return %c0_i32, %c0_i32_0 : i32, i32
  }
  func.func @transform_3(%arg0: i32) -> (i32, i32) {
    %c0_i32 = arith.constant 0 : i32
    %c0_i32_0 = arith.constant 0 : i32
    return %arg0, %c0_i32 : i32, i32
  }
}

</mosaic_0001>

<sc_bundles>
// kernel: kernel.5.cloned.1.call-start
scs
__scs_entry_jumppad:
0x0: {  	(pc) =	sbr.rel $0x88, $3  }
0x1: {  	(tag) =	ssettag $0x0;
	lr =	simm.s32 $0x1  }
0x2: {  	[smem:$0x3F9E] =	sst lr;
	_ =	strace $0xD0000000  }
0x3: {  	_ = 	snop  }
0x4: {  	_ = 	snop  }
0x5: {  	_ = 	snop  }
0x6: {  	_ = 	snop  }
0x7: {  	_ = 	snop  }
__scs_overlays_trampoline_lowered:
0x8: {  	[smem:$0x3FAD] =	sst s0  }
0x9: {  	[smem:$0x3FAE] =	sst s1  }
0xa: {  	[smem:$0x3FAF] =	sst s2  }
0xb: {  	[smem:$0x3FB0] =	sst s3  }
0xc: {  	[smem:$0x3FB1] =	sst s4  }
0xd: {  	[smem:$0x3FB2] =	sst s5  }
0xe: {  	[smem:$0x3FB3] =	sst s6  }
0xf: {  	[smem:$0x3FB4] =	sst s7  }
0x10: {  	[smem:$0x3FB5] =	sst s8  }
0x11: {  	[smem:$0x3FB6] =	sst s9;
	s0 =	simm.s32 @!p0 $0x0  }
0x12: {  	s1 =	sld [smem:$0x3F9C];
	s0 =	simm.s32 @p0 $0x1  }
0x13: {  	[smem:$0x3FB7] =	sst s0;
	s0 =	simm.s32 @!p1 $0x0  }
0x14: {  	s2 =	sld [smem:$0x3F9B];
	s0 =	simm.s32 @p1 $0x1  }
0x15: {  	[smem:$0x3FB8] =	sst s0;
	s0 =	simm.s32 @!p2 $0x0  }
0x16: {  	s3 =	sld [smem:$0x3FDB];
	s0 =	simm.s32 @p2 $0x1  }
0x17: {  	s4 =	simm.s32 $0x1BF5;
	[smem:$0x3FBA] =	sst s0  }
0x18: {  	s0 =	sld [smem:$0x3F9D];
	_ =	swait.ge [sflag:s4], $0x0  }
0x19: {  	s7 =	sld [smem:$0x3F9E]  }
0x1a: {  	s8 =	sadd.s32 $0xFFFFE003, lr  }
0x1b: {  	s9 =	sadd.s32 $0xFFFFFEF7, lr;
	s5 =	simm.s32 $0xFFFFFFFF;
	p2 =	slt.u32 s8, $0xFFFFF086  }
0x1c: {  	p1 =	slt.u32 s9, $0xF7A;
	s5 =	simm.s32 @!p2 $0x0  }
0x1d: {  	s5 =	simm.s32 @p1 $0x1;
	p0 =	seq.s32 s7, s2  }
0x1e: {  	s7 =	smul.u32 @!p0 $0xF7A, s2;
	p2 =	seq.s32 @!p0 s5, $0x0  }
0x1f: {  	s9 =	smul.u32 $0xF7A, s1;
	s8 =	simm.s32 @!p0 $0x1BF5;
	p2 =	por !p2, p0  }
0x20: {  	[sflag:s8] =	ssyncset.s32 @!p0 $0xFFFFF086;
	s6 =	sadd.s32 @!p0 s3, s7;
	s7 =	simm.s32 @!p0 $0x108  }
0x21: {  	s3 =	sadd.s32 s3, s9;
	s6 =	sadd.s32 @!p0 $0x88, s6;
	s7 =	simm.s32 @p2 $0x1082  }
0x22: {  	[simem:s7], [sflag:s8] =	dma.local @!p0 [hbm:s6], $0xF7A  }
0x23: {  	s9 =	sor.u32 $0xD0000000, s2;
	s6 =	simm.s32 $0x108;
	_ =	swait.ge @!p0 [sflag:s8], $0x0  }
0x24: {  	s3 =	sadd.s32 $0x88, s3;
	s6 =	simm.s32 @!p1 $0x1082;
	[sflag:s4] =	ssyncset.s32 $0xFFFFF086  }
0x25: {  	[simem:s6], [sflag:s4] =	dma.local [hbm:s3], $0xF7A  }
0x26: {  	[smem:$0x3F9E] =	sst s1;
	(tag) =	ssettag s2;
	_ =	strace s9  }
0x27: {  	s1 =	sld [smem:$0x3FAE]  }
0x28: {  	s2 =	sld [smem:$0x3FAF]  }
0x29: {  	s4 =	sld [smem:$0x3FB1]  }
0x2a: {  	p0 =	seq.s32 s5, $0x0;
	s5 =	sld [smem:$0x3FB2]  }
0x2b: {  	s6 =	sld [smem:$0x3FB3]  }
0x2c: {  	s7 =	sld [smem:$0x3FB4]  }
0x2d: {  	s3 =	simm.s32 $0x108;
	s8 =	sld [smem:$0x3FB5]  }
0x2e: {  	s3 =	simm.s32 @!p0 $0x1082;
	s9 =	sld [smem:$0x3FB6]  }
0x2f: {  	lr =	sadd.s32 s0, s3;
	s0 =	sld [smem:$0x3FAD]  }
0x30: {  	s3 =	sld [smem:$0x3FB0]  }
0x31: {  	[smem:$0x3FB9] =	sst s10  }
0x32: {  	s10 =	sld [smem:$0x3FB7];
	_ =	sdelay $0x3  }
0x33: {  	p0 =	seq.s32 s10, $0x1;
	s10 =	sld [smem:$0x3FB9];
	_ =	sdelay $0x3  }
0x34: {  	[smem:$0x3FB9] =	sst s10  }
0x35: {  	s10 =	sld [smem:$0x3FB8];
	_ =	sdelay $0x3  }
0x36: {  	p1 =	seq.s32 s10, $0x1;
	s10 =	sld [smem:$0x3FB9];
	_ =	sdelay $0x3  }
0x37: {  	[smem:$0x3FB9] =	sst s10  }
0x38: {  	s10 =	sld [smem:$0x3FBA]  }
0x39: {  	_ = 	snop;
	(pc) =	sbr.ind lr, $3  }
0x3a: {  	_ = 	snop  }
0x3b: {  	_ = 	snop  }
0x3c: {  	p2 =	seq.s32 s10, $0x1;
	s10 =	sld [smem:$0x3FB9]  }
0x3d: {  	_ =	shalt  }
0x3e: {  	_ =	shalt  }
0x3f: {  	_ =	shalt  }
0x40: {  	_ =	shalt  }
0x41: {  	_ =	shalt  }
0x42: {  	_ =	shalt  }
0x43: {  	_ =	shalt  }
0x44: {  	_ =	shalt  }
0x45: {  	_ =	shalt  }
0x46: {  	_ =	shalt  }
0x47: {  	_ =	shalt  }
0x48: {  	_ =	shalt  }
0x49: {  	_ =	shalt  }
0x4a: {  	_ =	shalt  }
0x4b: {  	_ =	shalt  }
0x4c: {  	_ =	shalt  }
0x4d: {  	_ =	shalt  }
0x4e: {  	_ =	shalt  }
0x4f: {  	_ =	shalt  }
0x50: {  	_ =	shalt  }
0x51: {  	_ =	shalt  }
0x52: {  	_ =	shalt  }
0x53: {  	_ =	shalt  }
0x54: {  	_ =	shalt  }
0x55: {  	_ =	shalt  }
0x56: {  	_ =	shalt  }
0x57: {  	_ =	shalt  }
0x58: {  	_ =	shalt  }
0x59: {  	_ =	shalt  }
0x5a: {  	_ =	shalt  }
0x5b: {  	_ =	shalt  }
0x5c: {  	_ =	shalt  }
0x5d: {  	_ =	shalt  }
0x5e: {  	_ =	shalt  }
0x5f: {  	_ =	shalt  }
0x60: {  	_ =	shalt  }
0x61: {  	_ =	shalt  }
0x62: {  	_ =	shalt  }
0x63: {  	_ =	shalt  }
0x64: {  	_ =	shalt  }
0x65: {  	_ =	shalt  }
0x66: {  	_ =	shalt  }
0x67: {  	_ =	shalt  }
0x68: {  	_ =	shalt  }
0x69: {  	_ =	shalt  }
0x6a: {  	_ =	shalt  }
0x6b: {  	_ =	shalt  }
0x6c: {  	_ =	shalt  }
0x6d: {  	_ =	shalt  }
0x6e: {  	_ =	shalt  }
0x6f: {  	_ =	shalt  }
0x70: {  	_ =	shalt  }
0x71: {  	_ =	shalt  }
0x72: {  	_ =	shalt  }
0x73: {  	_ =	shalt  }
0x74: {  	_ =	shalt  }
0x75: {  	_ =	shalt  }
0x76: {  	_ =	shalt  }
0x77: {  	_ =	shalt  }
0x78: {  	_ =	shalt  }
0x79: {  	_ =	shalt  }
0x7a: {  	_ =	shalt  }
0x7b: {  	_ =	shalt  }
0x7c: {  	_ =	shalt  }
0x7d: {  	_ =	shalt  }
0x7e: {  	_ =	shalt  }
0x7f: {  	_ =	shalt  }
0x80: {  	_ =	shalt  }
0x81: {  	_ =	shalt  }
0x82: {  	_ =	shalt  }
0x83: {  	_ =	shalt  }
0x84: {  	_ =	shalt  }
0x85: {  	_ =	shalt  }
0x86: {  	_ =	shalt  }
0x87: {  	_ =	shalt  }
.Lfunc_end0:
.L_simem_size_0:
called_computation_lowered:
.L_overlay_start_0:
0x88: {  	s2 =	sld [smem:$0x3FD9]  }
0x89: {  	s3 =	sld [smem:$0x3FFE];
	_ =	sdelay $0x1  }
0x8a: {  	s1 =	srdreg.scid  }
0x8b: {  	s0 =	sand.u32 $0x1, s1  }
0x8c: {  	s17 =	sshll.u32 s0, $0xA;
	s2 =	sadd.s32 s3, s2  }
0x8d: {  	s2 =	sadd.s32 s2, s17  }
0x8e: {  	[smem:$0x3FC5] =	sst s2  }
0x8f: {  	_ = 	snop  }
0x90: {  	s2 =	sld [smem:$0x3FC8]  }
0x91: {  	s18 =	sld [smem:$0x3FC7]  }
0x92: {  	s4 =	sld [smem:$0x3FD0];
	(tm) =	ssettm $0x1  }
0x93: {  	s5 =	sld [smem:$0x3FFB];
	_ =	sdelay $0x3  }
0x94: {  	_ =	strace s5  }
0x95: {  	s5 =	sld [smem:$0x3FFC];
	_ =	sdelay $0x3  }
0x96: {  	_ =	strace s5  }
0x97: {  	s5 =	sld [smem:$0x3FFD];
	_ =	sdelay $0x3  }
0x98: {  	_ =	strace s5  }
0x99: {  	_ =	strace $0x8FFFFFFF  }
0x9a: {  	s19 =	sld [smem:$0x3FDB];
	_ =	sdelay $0x1  }
0x9b: {  	s6 =	simm.s32 $_scs_section_size  }
0x9c: {  	s7 =	simm.s32 $_size__tile_overlayer_lowered;
	s8 =	simm.s32 $_tile_overlayer_lowered  }
0x9d: {  	s22 =	simm.s32 $0x1BFF;
	s21 =	sshll.u32 s8, $0x1;
	s5 =	sadd.s32 s6, s19  }
0x9e: {  	s9 =	simm.s32 $0x0;
	s20 =	sshll.u32 s7, $0x1;
	s7 =	sadd.s32 s21, s5  }
0x9f: {  	[timem:s9], [sflag:s22] =	dma.local [hbm:s7], s20  }
0xa0: {  	_ =	swait.ge [sflag:s22], s20  }
0xa1: {  	s6 =	ssub.s32 $0x0, s20;
	[sflag:s22] =	ssyncset.done $0x0  }
0xa2: {  	[sflag:s22] =	ssyncadd.s32 s6;
	_ =	sdelay $0x1  }
0xa3: {  	s23 =	simm.s32 $0x1B8B  }
0xa4: {  	_ =	swait.ge [sflag:s23], $0x1  }
0xa5: {  	[sflag:s23] =	ssyncset.done $0x0  }
0xa6: {  	s25 =	simm.s32 $0x1B8E;
	s24 =	sld [smem:$0x3FFE];
	[sflag:s23] =	ssyncadd.s32 $0xFFFFFFFF  }
0xa7: {  	s26 =	simm.s32 $execute0_lowered;
	[smem:$0x3FD2] =	sst s25  }
0xa8: {  	s7 =	sshll.u32 s26, $0x1;
	_ =	strace $0x80000046;
	[dreg:$0x1] =	wrdreg $0xFFFFFFFF  }
0xa9: {  	s28 =	simm.s32 $_size_execute0_lowered;
	s5 =	sadd.s32 s5, s7;
	[dreg:$0x0] =	wrdreg $0x0  }
0xaa: {  	s7 =	sshll.u32 s28, $0x1;
	[dreg:$0x2] =	wrdreg s5  }
0xab: {  	[dreg:$0x3] =	wrdreg s7  }
0xac: {  	[dreg:$0x4] =	wrdreg $0xC0  }
0xad: {  	_ =	task [dreg:s9], $0x5FFFF  }
0xae: {  	[dreg:$0x1] =	wrdreg $0xFFFFFFFF  }
0xaf: {  	[dreg:$0x0] =	wrdreg $0x60  }
0xb0: {  	[dreg:$0x2] =	wrdreg s2  }
0xb1: {  	[dreg:$0x3] =	wrdreg s18  }
0xb2: {  	[dreg:$0x4] =	wrdreg s24  }
0xb3: {  	[dreg:$0x5] =	wrdreg s4  }
0xb4: {  	[dreg:$0x6] =	wrdreg $0x102000  }
0xb5: {  	[dreg:$0x7] =	wrdreg $0x9  }
0xb6: {  	_ =	task.clear_ibuf [dreg:s9], $0x8FFFF;
	_ =	strace $0x90000046  }
0xb7: {  	s29 =	simm.s32 $0x9;
	_ =	strace $0x80000048  }
0xb8: {  	_ =	swait.ge [sflag:s29], $0x1  }
0xb9: {  	[sflag:s29] =	ssyncadd.s32 $0xFFFFFFFF  }
0xba: {  	_ =	strace $0x90000048  }
0xbb: {  	_ =	sfence  }
0xbc: {  	s30 =	sld [smem:$0x0];
	_ =	sdelay $0x2  }
0xbd: {  	s31 =	sshll.u32 s1, $0xD;
	s1 =	sshrl.u32 s1, $0x2  }
0xbe: {  	s3 =	sand.u32 $0x4000, s31;
	s1 =	sadd.s32 s1, s30  }
0xbf: {  	s0 =	sor.u32 s3, s0;
	s1 =	sshll.u32 s1, $0x11  }
0xc0: {  	s0 =	sor.u32 s1, s0  }
0xc1: {  	s0 =	sadd.s32 $0x8F2B, s0  }
0xc2: {  	[sflag:s0] =	ssyncadd.remote.s32 $0x1  }
0xc3: {  	_ =	sfence.sel $0xFFFF  }
0xc4: {  	[dreg:$0x0] =	wrdreg $0xFFFFFFFF;
	(pc) =	sbr.abs _section_cstart, $3  }
0xc5: {  	[dreg:$0x1] =	wrdreg $0xFFFFFFFF  }
0xc6: {  	_ =	task.clear_ibuf [dreg:s9], $0x2FFFF;
	_ =	strace $0x9FFFFFFF  }
0xc7: {  	(tm) =	ssettm $0x7FFFFFFF  }
tec
execute0_lowered:
.L_overlay_start_1:
0x0: {  	(tag) =	ssettag $0x1  }
0x1: {  	s0 =	rddreg [dreg:$0x0]  }
0x2: {  	s3 =	rddreg [dreg:$0x1]  }
0x3: {  	s4 =	rddreg [dreg:$0x2]  }
0x4: {  	s5 =	rddreg [dreg:$0x3];
	s2 =	srdreg.scid  }
0x5: {  	s6 =	stileid.u32;
	s1 =	rddreg [dreg:$0x4];
	s29 =	simm.s32 $0x4  }
0x6: {  	s30 =	simm.s32 $0x0;
	s7 =	sand.u32 $0x1, s2;
	s8 =	sshll.u32 s6, $0x1  }
0x7: {  	s2 =	simm.s32 $0x0;
	s4 =	sadd.s32 $0xA00, s4;
	s23 =	smul.u32 $0x4E, s6  }
0x8: {  	p0 =	sne.s32 s6, $0x0;
	p1 =	seq.s32 s6, $0x0;
	s12 =	smul.u32 $0x3E80, s7  }
0x9: {  	s8 =	sor.u32 s7, s8;
	s17 =	ssub.s32 $0x2, s7;
	s7 =	smul.u32 $0x27, s7  }
0xa: {  	[smem:$0x7FF] =	sst s2;
	s16 =	sshrl.u32 @!p0 s1, $0x3;
	s9 =	smul.u32 $0x27, s8  }
0xb: {  	_ =	strace $0x80000047;
	s11 =	smin.u32 s8, $0x2;
	s18 =	sshrl.u32 s17, $0x1  }
0xc: {  	[dreg:$0x6] =	wrdreg s4;
	s4 =	ssub.s32 s17, s18;
	s5 =	sadd.s32 s5, s12  }
0xd: {  	s7 =	sadd.s32 s7, s23;
	s17 =	simm.s32 $0x10000;
	s18 =	simm.s32 $0x8000  }
0xe: {  	s23 =	simm.s32 $0x4000;
	s8 =	sadd.s32 s11, s9;
	[dreg:$0x9] =	wrdreg s5  }
0xf: {  	s4 =	smax.u32 s4, $0x1;
	s28 =	sadd.s32 s11, s7;
	s10 =	sshll.u32 s8, $0xC  }
0x10: {  	s20 =	sshll.u32 s8, $0x5;
	s21 =	sadd.s32 $0x1, s8;
	[dreg:$0xa] =	wrdreg s4  }
0x11: {  	s24 =	sadd.s32 $0x2, s8;
	s7 =	sshll.u32 s28, $0x5;
	s19 =	sadd.s32 s0, s10  }
0x12: {  	s9 =	sadd.s32 s3, s20;
	s22 =	sshll.u32 s21, $0xC;
	s25 =	sshll.u32 s21, $0x5  }
0x13: {  	s26 =	sshll.u32 s24, $0xC;
	s31 =	sshll.u32 s24, $0x5;
	s7 =	sadd.s32 s3, s7  }
0x14: {  	s20 =	simm.s32 $0x1;
	s21 =	simm.s32 $0x80;
	[dreg:$0x7] =	wrdreg s19  }
0x15: {  	s24 =	simm.s32 $0x3;
	[dreg:$0x8] =	wrdreg s9;
	s4 =	sand.u32 $0x1FFFF000, s22  }
0x16: {  	s5 =	sand.u32 $0x1FFFF000, s26;
	s12 =	sadd.s32 $0x60, s7;
	s4 =	sadd.s32 s0, s4  }
0x17: {  	s14 =	sadd.s32 $0x80, s7;
	[dreg:$0xb] =	wrdreg s4;
	s4 =	sand.u32 $0xFFFFFE0, s25  }
0x18: {  	s19 =	simm.s32 $0x10100;
	s10 =	sadd.s32 s0, s5;
	s4 =	sadd.s32 s3, s4  }
0x19: {  	s5 =	sand.u32 $0xFFFFFE0, s31;
	[dreg:$0xc] =	wrdreg s4;
	s4 =	sshll.u32 s28, $0xC  }
0x1a: {  	s22 =	simm.s32 $0x10080;
	s11 =	sadd.s32 s3, s5;
	s0 =	sadd.s32 s0, s4  }
0x1b: {  	s25 =	simm.s32 $0x2;
	s13 =	sadd.s32 $0x3000, s0;
	s15 =	sadd.s32 $0x4000, s0  }
.LBB2_1:
0x1c: {  	s0 =	simm.s32 @!p0 $0x1C05;
	s3 =	rddreg [dreg:$0x6]  }
0x1d: {  	[spmem:s16], [sflag:s0] =	dma.local @!p0 [hbm:s3], $0x3E80  }
0x1e: {  	s0 =	simm.s32 @!p0 $0x5  }
0x1f: {  	_ =	swait.ge @!p0 [sflag:s0], $0x3E80  }
0x20: {  	[sflag:s0] =	ssyncset.done @!p0 $0x0  }
0x21: {  	[sflag:s0] =	ssyncadd.s32 @!p0 $0xFFFFC180  }
0x22: {  	[bflag:$0x0] =	sbarrier.arrive $0xFFFF  }
0x23: {  	s5 =	rddreg [dreg:$0x7]  }
0x24: {  	[tilespmem:s2], [sflag:$0x1] =	stream.linear.gather [hbm4b:s5+s2], $0x8000, $0x38;
	[tilespmem:$0x12140] =	vst v63  }
0x25: {  	s6 =	rddreg [dreg:$0x8]  }
0x26: {  	[tilespmem:s17], [sflag:$0x1] =	stream.linear.gather [hbm4b:s6+s2], $0x100, $0x38;
	[tilespmem:$0x12140] =	vst v63  }
0x27: {  	s7 =	rddreg [dreg:$0xb]  }
0x28: {  	[tilespmem:s18], [sflag:$0x2] =	stream.linear.gather [hbm4b:s7+s2], $0x8000, $0x38;
	[tilespmem:$0x12140] =	vst v63  }
0x29: {  	s8 =	rddreg [dreg:$0xc]  }
0x2a: {  	[tilespmem:s19], [sflag:$0x2] =	stream.linear.gather [hbm4b:s8+s2], $0x100, $0x38;
	[tilespmem:$0x12140] =	vst v63  }
0x2b: {  	_ =	swait.ge [sflag:s20], $0x8000  }
0x2c: {  	[sflag:s20] =	ssyncset.done $0x0  }
0x2d: {  	[sflag:s20] =	ssyncadd.s32 $0xFFFF8000  }
0x2e: {  	_ =	swait.ge [sflag:s20], $0x100  }
0x2f: {  	[sflag:s20] =	ssyncset.done $0x0  }
0x30: {  	[sflag:s20] =	ssyncadd.s32 $0xFFFFFF00  }
0x31: {  	[spmem:s1] =	stream.indirect.scatter.add.f32 [tilespmem:s2], [sflag:$0x3], $0x80, s17, s21, $0xb8;
	[tilespmem:$0x12140] =	vst v63  }
0x32: {  	_ = 	snop  }
0x33: {  	[spmem:s1] =	stream.indirect.scatter.add.f32 [tilespmem:s23], [sflag:$0x3], $0x80, s22, s21, $0xb8;
	[tilespmem:$0x12140] =	vst v63  }
0x34: {  	_ =	swait.ge [sflag:s24], $0x4000  }
0x35: {  	[sflag:s24] =	ssyncset.done $0x0  }
0x36: {  	[sflag:s24] =	ssyncadd.s32 $0xFFFFC000  }
0x37: {  	_ =	swait.ge [sflag:s24], $0x4000  }
0x38: {  	[sflag:s24] =	ssyncset.done $0x0  }
0x39: {  	[sflag:s24] =	ssyncadd.s32 $0xFFFFC000  }
0x3a: {  	[tilespmem:s2], [sflag:$0x1] =	stream.linear.gather [hbm4b:s10+s2], $0x8000, $0x38;
	[tilespmem:$0x12140] =	vst v63  }
0x3b: {  	_ = 	snop  }
0x3c: {  	[tilespmem:s17], [sflag:$0x1] =	stream.linear.gather [hbm4b:s11+s2], $0x100, $0x38;
	[tilespmem:$0x12140] =	vst v63  }
0x3d: {  	_ =	swait.ge [sflag:s25], $0x8000  }
0x3e: {  	[sflag:s25] =	ssyncset.done $0x0  }
0x3f: {  	[sflag:s25] =	ssyncadd.s32 $0xFFFF8000  }
0x40: {  	_ =	swait.ge [sflag:s25], $0x100  }
0x41: {  	[sflag:s25] =	ssyncset.done $0x0  }
0x42: {  	[sflag:s25] =	ssyncadd.s32 $0xFFFFFF00  }
0x43: {  	[spmem:s1] =	stream.indirect.scatter.add.f32 [tilespmem:s18], [sflag:$0x4], $0x80, s19, s21, $0xb8;
	[tilespmem:$0x12140] =	vst v63  }
0x44: {  	s9 =	simm.s32 $0x10180;
	s26 =	simm.s32 $0xC000  }
0x45: {  	[spmem:s1] =	stream.indirect.scatter.add.f32 [tilespmem:s26], [sflag:$0x4], $0x80, s9, s21, $0xb8;
	[tilespmem:$0x12140] =	vst v63  }
0x46: {  	_ =	swait.ge [sflag:s29], $0x4000  }
0x47: {  	[sflag:s29] =	ssyncset.done $0x0  }
0x48: {  	s31 =	simm.s32 @!p0 $0x28;
	[sflag:s29] =	ssyncadd.s32 $0xFFFFC000  }
0x49: {  	s31 =	simm.s32 @p0 $0x27;
	_ =	swait.ge [sflag:s29], $0x4000  }
0x4a: {  	p2 =	sle.u32 s31, $0x3;
	[sflag:s29] =	ssyncset.done $0x0  }
0x4b: {  	s3 =	simm.s32 @!p2 $0x8000;
	s0 =	simm.s32 @!p2 $0x0;
	[sflag:s29] =	ssyncadd.s32 $0xFFFFC000  }
0x4c: {  	[tilespmem:s3], [sflag:$0x2] =	stream.linear.gather @!p2 [hbm4b:s13+s0], $0x8000, $0x38;
	[tilespmem:$0x12140] =	vst v63  }
0x4d: {  	s4 =	simm.s32 @!p2 $0x10100  }
0x4e: {  	[tilespmem:s4], [sflag:$0x2] =	stream.linear.gather @!p2 [hbm4b:s12+s0], $0x100, $0x38;
	[tilespmem:$0x12140] =	vst v63  }
0x4f: {  	_ =	swait.ge [sflag:s20], $0x8000  }
0x50: {  	[sflag:s20] =	ssyncset.done $0x0  }
0x51: {  	[sflag:s20] =	ssyncadd.s32 $0xFFFF8000  }
0x52: {  	_ =	swait.ge [sflag:s20], $0x100  }
0x53: {  	[sflag:s20] =	ssyncset.done $0x0  }
0x54: {  	[sflag:s20] =	ssyncadd.s32 $0xFFFFFF00  }
0x55: {  	[spmem:s1] =	stream.indirect.scatter.add.f32 [tilespmem:s2], [sflag:$0x3], $0x80, s17, s21, $0xb8;
	[tilespmem:$0x12140] =	vst v63  }
0x56: {  	_ = 	snop  }
0x57: {  	[spmem:s1] =	stream.indirect.scatter.add.f32 [tilespmem:s23], [sflag:$0x3], $0x80, s22, s21, $0xb8;
	[tilespmem:$0x12140] =	vst v63  }
0x58: {  	_ =	swait.ge [sflag:s24], $0x4000  }
0x59: {  	[sflag:s24] =	ssyncset.done $0x0  }
0x5a: {  	[sflag:s24] =	ssyncadd.s32 $0xFFFFC000  }
0x5b: {  	_ =	swait.ge [sflag:s24], $0x4000  }
0x5c: {  	p3 =	sle.u32 s31, $0x4;
	[sflag:s24] =	ssyncset.done $0x0  }
0x5d: {  	s0 =	simm.s32 @!p3 $0x0;
	[sflag:s24] =	ssyncadd.s32 $0xFFFFC000  }
0x5e: {  	[tilespmem:s0], [sflag:$0x1] =	stream.linear.gather @!p3 [hbm4b:s15+s0], $0x8000, $0x38;
	[tilespmem:$0x12140] =	vst v63  }
0x5f: {  	s5 =	simm.s32 @!p3 $0x10000;
	s6 =	simm.s32 @!p2 $0x2  }
0x60: {  	[tilespmem:s5], [sflag:$0x1] =	stream.linear.gather @!p3 [hbm4b:s14+s0], $0x100, $0x38;
	[tilespmem:$0x12140] =	vst v63  }
0x61: {  	_ =	swait.ge @!p2 [sflag:s6], $0x8000  }
0x62: {  	[sflag:s6] =	ssyncset.done @!p2 $0x0  }
0x63: {  	[sflag:s6] =	ssyncadd.s32 @!p2 $0xFFFF8000  }
0x64: {  	s28 =	sadd.s32 $0x2000, s15;
	_ =	swait.ge @!p2 [sflag:s6], $0x100  }
0x65: {  	s7 =	simm.s32 @!p2 $0xC000;
	s26 =	sadd.s32 $0x40, s14;
	[sflag:s6] =	ssyncset.done @!p2 $0x0  }
0x66: {  	s0 =	simm.s32 $0x6;
	s5 =	simm.s32 @!p2 $0x80;
	[sflag:s6] =	ssyncadd.s32 @!p2 $0xFFFFFF00  }
0x67: {  	[spmem:s1] =	stream.indirect.scatter.add.f32 @!p2 [tilespmem:s3], [sflag:$0x4], $0x80, s4, s5, $0xb8;
	[tilespmem:$0x12140] =	vst v63  }
0x68: {  	s6 =	simm.s32 @!p2 $0x10180;
	s3 =	sadd.s32 $0x2000, s13;
	s4 =	sadd.s32 $0x40, s12  }
.LBB2_2:
0x69: {  	[spmem:s1] =	stream.indirect.scatter.add.f32 @!p2 [tilespmem:s7], [sflag:$0x4], $0x80, s6, s5, $0xb8;
	[tilespmem:$0x12140] =	vst v63  }
0x6a: {  	s5 =	smov.u32 s0;
	s0 =	sadd.s32 $0x2, s0;
	_ =	swait.ge [sflag:s29], $0x4000  }
0x6b: {  	p3 =	sne.s32 s0, $0x2A;
	[sflag:s29] =	ssyncset.done $0x0  }
0x6c: {  	[sflag:s29] =	ssyncadd.s32 $0xFFFFC000  }
0x6d: {  	s6 =	sadd.s32 $0xFFFFFFFF, s5;
	_ =	swait.ge [sflag:s29], $0x4000  }
0x6e: {  	p2 =	sge.u32 s6, s31;
	[sflag:s29] =	ssyncset.done $0x0  }
0x6f: {  	s6 =	simm.s32 @!p2 $0x0;
	s7 =	simm.s32 @!p2 $0x8000;
	[sflag:s29] =	ssyncadd.s32 $0xFFFFC000  }
0x70: {  	[tilespmem:s7], [sflag:$0x2] =	stream.linear.gather @!p2 [hbm4b:s3+s6], $0x8000, $0x38;
	[tilespmem:$0x12140] =	vst v63  }
0x71: {  	s8 =	simm.s32 @!p2 $0x10100  }
0x72: {  	[tilespmem:s8], [sflag:$0x2] =	stream.linear.gather @!p2 [hbm4b:s4+s6], $0x100, $0x38;
	[tilespmem:$0x12140] =	vst v63  }
0x73: {  	_ =	swait.ge [sflag:s20], $0x8000  }
0x74: {  	[sflag:s20] =	ssyncset.done $0x0  }
0x75: {  	[sflag:s20] =	ssyncadd.s32 $0xFFFF8000  }
0x76: {  	_ =	swait.ge [sflag:s20], $0x100  }
0x77: {  	[sflag:s20] =	ssyncset.done $0x0  }
0x78: {  	[sflag:s20] =	ssyncadd.s32 $0xFFFFFF00  }
0x79: {  	[spmem:s1] =	stream.indirect.scatter.add.f32 [tilespmem:s2], [sflag:$0x3], $0x80, s17, s21, $0xb8;
	[tilespmem:$0x12140] =	vst v63  }
0x7a: {  	_ = 	snop  }
0x7b: {  	[spmem:s1] =	stream.indirect.scatter.add.f32 [tilespmem:s23], [sflag:$0x3], $0x80, s22, s21, $0xb8;
	[tilespmem:$0x12140] =	vst v63  }
0x7c: {  	_ =	swait.ge [sflag:s24], $0x4000  }
0x7d: {  	[sflag:s24] =	ssyncset.done $0x0  }
0x7e: {  	[sflag:s24] =	ssyncadd.s32 $0xFFFFC000  }
0x7f: {  	_ =	swait.ge [sflag:s24], $0x4000  }
0x80: {  	p4 =	sge.u32 s5, s31;
	[sflag:s24] =	ssyncset.done $0x0  }
0x81: {  	s5 =	simm.s32 @!p4 $0x0;
	[sflag:s24] =	ssyncadd.s32 $0xFFFFC000  }
0x82: {  	[tilespmem:s5], [sflag:$0x1] =	stream.linear.gather @!p4 [hbm4b:s28+s5], $0x8000, $0x38;
	[tilespmem:$0x12140] =	vst v63  }
0x83: {  	s9 =	simm.s32 @!p2 $0x2;
	s6 =	simm.s32 @!p4 $0x10000  }
0x84: {  	[tilespmem:s6], [sflag:$0x1] =	stream.linear.gather @!p4 [hbm4b:s26+s5], $0x100, $0x38;
	[tilespmem:$0x12140] =	vst v63  }
0x85: {  	_ =	swait.ge @!p2 [sflag:s9], $0x8000  }
0x86: {  	[sflag:s9] =	ssyncset.done @!p2 $0x0  }
0x87: {  	[sflag:s9] =	ssyncadd.s32 @!p2 $0xFFFF8000  }
.Ltmp0:
0x88: {  	_ =	swait.ge @!p2 [sflag:s9], $0x100;
	(pc) =	sbr.rel @p3 .LBB2_2-.Ltmp0, $4  }
0x89: {  	s28 =	sadd.s32 $0x2000, s28;
	s26 =	sadd.s32 $0x40, s26;
	[sflag:s9] =	ssyncset.done @!p2 $0x0  }
0x8a: {  	s3 =	sadd.s32 $0x2000, s3;
	s5 =	simm.s32 @!p2 $0x80;
	[sflag:s9] =	ssyncadd.s32 @!p2 $0xFFFFFF00  }
0x8b: {  	[spmem:s1] =	stream.indirect.scatter.add.f32 @!p2 [tilespmem:s7], [sflag:$0x4], $0x80, s8, s5, $0xb8;
	[tilespmem:$0x12140] =	vst v63  }
0x8c: {  	s4 =	sadd.s32 $0x40, s4;
	s6 =	simm.s32 @!p2 $0x10180;
	s7 =	simm.s32 @!p2 $0xC000  }
0x8d: {  	[spmem:s1] =	stream.indirect.scatter.add.f32 @!p2 [tilespmem:s7], [sflag:$0x4], $0x80, s6, s5, $0xb8;
	[tilespmem:$0x12140] =	vst v63  }
0x8e: {  	s0 =	simm.s32 @p1 $0x4  }
0x8f: {  	_ =	swait.ge @p1 [sflag:s0], $0x4000  }
0x90: {  	[sflag:s0] =	ssyncset.done @p1 $0x0  }
0x91: {  	[sflag:s0] =	ssyncadd.s32 @p1 $0xFFFFC000  }
0x92: {  	_ =	swait.ge @p1 [sflag:s0], $0x4000  }
0x93: {  	[sflag:s0] =	ssyncset.done @p1 $0x0  }
0x94: {  	[sflag:s0] =	ssyncadd.s32 @p1 $0xFFFFC000  }
0x95: {  	[bflag:$0x0] =	sbarrier.arrive @p1 $0xFFFF  }
0x96: {  	s3 =	simm.s32 @p1 $0x1C05;
	s0 =	sshrl.u32 @p1 s1, $0x3;
	s4 =	rddreg [dreg:$0x9]  }
0x97: {  	[hbm:s4], [sflag:s3] =	dma.local @p1 [spmem:s0], $0x3E80  }
0x98: {  	s0 =	simm.s32 @p1 $0x5  }
0x99: {  	_ =	swait.ge @p1 [sflag:s0], $0x3E80  }
0x9a: {  	s30 =	sadd.s32 $0x1, s30;
	s31 =	rddreg [dreg:$0xa]  }
0x9b: {  	p2 =	sne.s32 s30, s31  }
.Ltmp1:
0x9c: {  	_ = 	snop;
	(pc) =	sbr.rel @p2 .LBB2_1-.Ltmp1, $3  }
0x9d: {  	[sflag:s0] =	ssyncset.done @p1 $0x0  }
0x9e: {  	[sflag:s0] =	ssyncadd.s32 @p1 $0xFFFFC180  }
0x9f: {  	[bflag:$0x0] =	sbarrier.arrive @!p1 $0xFFFF;
	_ =	sdelay $0x1  }
0xa0: {  	_ =	sfence.sel $0x180000  }
0xa1: {  	[bflag:$0x0] =	sbarrier.arrive $0xFFFF  }
0xa2: {  	_ =	strace $0x90000047  }
0xa3: {  	[bflag:$0x2] =	sbarrier.arrive $0xFFFF  }
0xa4: {  	s0 =	rddreg [dreg:$0x5]  }
0xa5: {  	s0 =	sadd.s32 @!p0 $0x100000, s0  }
0xa6: {  	[sflag:s0] =	ssyncadd.tile.s32 @!p0 $0x1;
	_ =	shalt  }
.Lfunc_end2:
_tile_overlayer_lowered:
.L_overlay_start_2:
0xa7: {  	(tag) =	ssettag $0x2  }
0xa8: {  	s0 =	rddreg [dreg:$0x0];
	s2 =	stileid.u32  }
0xa9: {  	s1 =	rddreg [dreg:$0x1];
	p0 =	sne.s32 s2, $0x0  }
0xaa: {  	s3 =	rddreg [dreg:$0x2];
	[bflag:$0x3] =	sbarrier.arrive $0xFFFF;
	s2 =	simm.s32 @!p0 $0x1C05  }
0xab: {  	[timem:s3], [sflag:s2] =	dma.local @!p0 [hbm:s0], s1  }
0xac: {  	s0 =	simm.s32 @!p0 $0x5  }
0xad: {  	_ =	swait.ge @!p0 [sflag:s0], s1  }
0xae: {  	s1 =	ssub.s32 @!p0 $0x0, s1;
	[sflag:s0] =	ssyncset.done @!p0 $0x0  }
0xaf: {  	[sflag:s0] =	ssyncadd.s32 @!p0 s1  }
0xb0: {  	[bflag:$0x3] =	sbarrier.arrive $0xFFFF  }
0xb1: {  	_ =	shalt  }

</sc_bundles>
